<compile_context>
chip_gen: v7x
topology: tpu7x:2x2x1
jax: 0.10.2.dev20260603
libtpu: 0.0.44.dev20260713+nightly
codegen_flags: <defaults>
</compile_context>

<pallas_src>
import functools

import jax
import jax.numpy as jnp
from jax import lax
from jax.experimental import pallas as pl
from jax.experimental.pallas import tpu as pltpu
from jax.experimental.pallas import tpu_sc as plsc

DP = 32
TOPK = 10


def _sc_gather(vecs_pad, emb, x_flat, cand):
  info = plsc.get_sparse_core_info()
  nw = info.num_cores * info.num_subcores
  n = x_flat.shape[0]
  k = cand.shape[0]
  h = emb.shape[1]
  w = vecs_pad.shape[1]
  bn = n // nw
  bk = k // nw
  mesh = plsc.VectorSubcoreMesh(core_axis_name="c", subcore_axis_name="s")

  @functools.partial(
      pl.kernel,
      mesh=mesh,
      out_type=[
          jax.ShapeDtypeStruct((n, w), jnp.float32),
          jax.ShapeDtypeStruct((n, h), jnp.float32),
          jax.ShapeDtypeStruct((k, w), jnp.float32),
          jax.ShapeDtypeStruct((k, h), jnp.float32),
      ],
      scratch_types=[
          pltpu.VMEM((bn,), jnp.int32),
          pltpu.VMEM((bk,), jnp.int32),
          pltpu.VMEM((bn, w), jnp.float32),
          pltpu.VMEM((bn, h), jnp.float32),
          pltpu.VMEM((bk, w), jnp.float32),
          pltpu.VMEM((bk, h), jnp.float32),
          pltpu.SemaphoreType.DMA,
      ],
  )
  def gather(vecs_hbm, emb_hbm, xf_hbm, cand_hbm,
             xe_out, self_out, ne_out, ce_out,
             idx1_v, idx2_v, b_xe, b_self, b_ne, b_ce, sem):
    wid = lax.axis_index("s") * info.num_cores + lax.axis_index("c")
    base1 = wid * bn
    pltpu.sync_copy(xf_hbm.at[pl.ds(base1, bn)], idx1_v)
    pltpu.async_copy(vecs_hbm.at[idx1_v], b_xe, sem).wait()
    pltpu.sync_copy(b_xe, xe_out.at[pl.ds(base1, bn)])
    pltpu.async_copy(emb_hbm.at[idx1_v], b_self, sem).wait()
    pltpu.sync_copy(b_self, self_out.at[pl.ds(base1, bn)])
    base2 = wid * bk
    pltpu.sync_copy(cand_hbm.at[pl.ds(base2, bk)], idx2_v)
    pltpu.async_copy(vecs_hbm.at[idx2_v], b_ne, sem).wait()
    pltpu.sync_copy(b_ne, ne_out.at[pl.ds(base2, bk)])
    pltpu.async_copy(emb_hbm.at[idx2_v], b_ce, sem).wait()
    pltpu.sync_copy(b_ce, ce_out.at[pl.ds(base2, bk)])

  return gather(vecs_pad, emb, x_flat, cand)


_DEF = lax.Precision.DEFAULT
_HI = lax.Precision.HIGHEST


def _prep_body(seq, user, dv,
               xe3_ref, xt_ref, ne_ref, tpad_ref,
               w1_ref, b1_ref, w2_ref, b2_ref,
               wo1_ref, bo1_ref, wo2_ref, bo2_ref,
               wi1_ref, bi1_ref, wi2_ref, bi2_ref,
               q_ref, aa_ref, xi_ref, xin_ref, nt_ref, nen_ref, ntn_ref):
  n = seq * user
  xe3 = xe3_ref[...]
  pieces = []
  for j in range(5):
    sh = 4 - j
    if sh == 0:
      e = xe3
    else:
      e = jnp.concatenate([xe3[:sh], xe3[:seq - sh]], axis=0)
    pieces.append(e.reshape(n, DP)[:, :dv])
  hist = jnp.concatenate(pieces, axis=1)
  hid = jnp.maximum(
      jnp.dot(hist, w1_ref[...], preferred_element_type=jnp.float32,
              precision=_DEF) + b1_ref[...], 0.0)
  q = jnp.dot(hid, w2_ref[...], preferred_element_type=jnp.float32,
              precision=_DEF) + b2_ref[...]
  q_ref[...] = q.reshape(seq, user, DP)
  aa_ref[...] = jnp.sum(q * q, axis=1, keepdims=True).reshape(seq, user, 1)

  xt = xt_ref[...].reshape(n, 1)
  oh = jnp.where(xt == lax.broadcasted_iota(jnp.int32, (n, 24), 1), 1.0, 0.0)
  t_emb = jnp.dot(oh, tpad_ref[...], preferred_element_type=jnp.float32,
                  precision=_HI)
  xe2 = xe3.reshape(n, DP)
  comb = jnp.concatenate([xe2[:, :dv], t_emb[:, :dv]], axis=1)
  xh = jnp.maximum(
      jnp.dot(comb, wo1_ref[...], preferred_element_type=jnp.float32,
              precision=_DEF) + bo1_ref[...], 0.0)
  xi = jnp.dot(xh, wo2_ref[...], preferred_element_type=jnp.float32,
               precision=_DEF) + bo2_ref[...]
  xi_ref[...] = xi.reshape(seq, user, DP)
  xin_ref[...] = jnp.sum(xi * xi, axis=1, keepdims=True).reshape(seq, user, 1)

  ne = ne_ref[...]
  kk = ne.shape[0]
  t0b = jnp.broadcast_to(tpad_ref[0:1, :dv], (kk, dv))
  vo = jnp.concatenate([ne[:, :dv], t0b], axis=1)
  nh = jnp.maximum(
      jnp.dot(vo, wi1_ref[...], preferred_element_type=jnp.float32,
              precision=_DEF) + bi1_ref[...], 0.0)
  nt = jnp.dot(nh, wi2_ref[...], preferred_element_type=jnp.float32,
               precision=_DEF) + bi2_ref[...]
  nt_ref[...] = nt
  nen_ref[...] = jnp.sum(ne * ne, axis=1, keepdims=True)
  ntn_ref[...] = jnp.sum(nt * nt, axis=1, keepdims=True)


def _score_body(bs, kk, q_ref, aa_ref, xi_ref, xin_ref, se_ref,
                ne_ref, nt_ref, nen_ref, ntn_ref, ce_ref, o_ref):
  ab_e = lax.dot_general(q_ref[...], ne_ref[...], (((1,), (1,)), ((), ())),
                         preferred_element_type=jnp.float32, precision=_DEF)
  ab_t = lax.dot_general(xi_ref[...], nt_ref[...], (((1,), (1,)), ((), ())),
                         preferred_element_type=jnp.float32, precision=_DEF)
  d2e = aa_ref[...] - 2.0 * ab_e + nen_ref[...]
  d2t = xin_ref[...] - 2.0 * ab_t + ntn_ref[...]
  de = jnp.sqrt(jnp.maximum(d2e, 1e-12))
  dt = jnp.sqrt(jnp.maximum(d2t, 1e-12))
  score = jnp.exp(-0.015 * de - 0.005 * dt)

  iota = lax.broadcasted_iota(jnp.int32, (bs, kk), 1)
  cur = score
  u = jnp.zeros((bs, kk), jnp.float32)
  s_sum = jnp.full((bs, 1), 2.7182818284590452, jnp.float32)
  for _ in range(TOPK):
    m = jnp.max(cur, axis=1, keepdims=True)
    sel = cur == m
    ij = jnp.min(jnp.where(sel, iota, kk), axis=1, keepdims=True)
    first = iota == ij
    ev = jnp.exp(m)
    u = u + jnp.where(first, ev, 0.0)
    s_sum = s_sum + ev
    cur = jnp.where(first, -1.0, cur)

  inv_s = 1.0 / s_sum
  wm = u * inv_s
  out = lax.dot_general(wm, ce_ref[...], (((1,), (0,)), ((), ())),
                        preferred_element_type=jnp.float32,
                        precision=_DEF)
  w_self = 2.7182818284590452 * inv_s
  o_ref[...] = out + w_self * se_ref[...]


def _pad_mat(w, rows=DP, cols=DP):
  return jnp.zeros((rows, cols), jnp.float32).at[:w.shape[0], :w.shape[1]].set(w)


def _pad_vec(b):
  return jnp.pad(b, (0, DP - b.shape[0])).reshape(1, DP)


def kernel(x, x_t_slot, candidate_number, vecs_use, x_embedding_network,
           time_embeddings, W_seq1, b_seq1, W_seq2, b_seq2, W_out1, b_out1,
           W_out2, b_out2, W_in1, b_in1, W_in2, b_in2):
  seq, user = x.shape
  n = seq * user
  k = candidate_number.shape[0]
  dv = vecs_use.shape[1]
  h = x_embedding_network.shape[1]
  nseg = time_embeddings.shape[0]

  x_flat = x.reshape(-1)
  vecs_pad = jnp.pad(vecs_use, ((0, 0), (0, h - dv)))
  xe, self_emb, ne, cand_emb = _sc_gather(
      vecs_pad, x_embedding_network, x_flat, candidate_number)
  xe = xe[:, :DP]
  ne = ne[:, :DP]

  w1p = jnp.zeros((5 * dv, DP), jnp.float32).at[:, :dv].set(W_seq1)
  wo1p = jnp.zeros((2 * dv, DP), jnp.float32).at[:, :dv].set(W_out1)
  wi1p = jnp.zeros((2 * dv, DP), jnp.float32).at[:, :dv].set(W_in1)
  tpad = jnp.pad(time_embeddings, ((0, 0), (0, DP - dv)))

  ub = 32
  full = lambda shape: pl.BlockSpec(shape, lambda i: tuple(0 for _ in shape))
  prep = pl.pallas_call(
      functools.partial(_prep_body, seq, ub, dv),
      grid=(user // ub,),
      in_specs=[
          pl.BlockSpec((seq, ub, DP), lambda i: (0, i, 0)),
          pl.BlockSpec((seq, ub, 1), lambda i: (0, i, 0)),
          full((k, DP)), full((nseg, DP)),
          full((5 * dv, DP)), full((1, DP)), full((DP, DP)), full((1, DP)),
          full((2 * dv, DP)), full((1, DP)), full((DP, DP)), full((1, DP)),
          full((2 * dv, DP)), full((1, DP)), full((DP, DP)), full((1, DP)),
      ],
      out_specs=[
          pl.BlockSpec((seq, ub, DP), lambda i: (0, i, 0)),
          pl.BlockSpec((seq, ub, 1), lambda i: (0, i, 0)),
          pl.BlockSpec((seq, ub, DP), lambda i: (0, i, 0)),
          pl.BlockSpec((seq, ub, 1), lambda i: (0, i, 0)),
          full((k, DP)), full((k, 1)), full((k, 1)),
      ],
      out_shape=[
          jax.ShapeDtypeStruct((seq, user, DP), jnp.float32),
          jax.ShapeDtypeStruct((seq, user, 1), jnp.float32),
          jax.ShapeDtypeStruct((seq, user, DP), jnp.float32),
          jax.ShapeDtypeStruct((seq, user, 1), jnp.float32),
          jax.ShapeDtypeStruct((k, DP), jnp.float32),
          jax.ShapeDtypeStruct((k, 1), jnp.float32),
          jax.ShapeDtypeStruct((k, 1), jnp.float32),
      ],
  )
  q3, aa3, xi3, xin3, nt, nen, ntn = prep(
      xe.reshape(seq, user, DP), x_t_slot.reshape(seq, user, 1), ne, tpad,
      w1p, _pad_vec(b_seq1), _pad_mat(W_seq2), _pad_vec(b_seq2),
      wo1p, _pad_vec(b_out1), _pad_mat(W_out2), _pad_vec(b_out2),
      wi1p, _pad_vec(b_in1), _pad_mat(W_in2), _pad_vec(b_in2))
  q = q3.reshape(n, DP)
  aa = aa3.reshape(n, 1)
  xi = xi3.reshape(n, DP)
  xin = xin3.reshape(n, 1)
  nen_row = nen.reshape(1, k)
  ntn_row = ntn.reshape(1, k)

  bs = 512
  grid = (n // bs,)
  score = pl.pallas_call(
      functools.partial(_score_body, bs, k),
      grid=grid,
      in_specs=[
          pl.BlockSpec((bs, DP), lambda i: (i, 0)),
          pl.BlockSpec((bs, 1), lambda i: (i, 0)),
          pl.BlockSpec((bs, DP), lambda i: (i, 0)),
          pl.BlockSpec((bs, 1), lambda i: (i, 0)),
          pl.BlockSpec((bs, h), lambda i: (i, 0)),
          pl.BlockSpec((k, DP), lambda i: (0, 0)),
          pl.BlockSpec((k, DP), lambda i: (0, 0)),
          pl.BlockSpec((1, k), lambda i: (0, 0)),
          pl.BlockSpec((1, k), lambda i: (0, 0)),
          pl.BlockSpec((k, h), lambda i: (0, 0)),
      ],
      out_specs=pl.BlockSpec((bs, h), lambda i: (i, 0)),
      out_shape=jax.ShapeDtypeStruct((n, h), jnp.float32),
  )
  return score(q, aa, xi, xin, self_emb, ne, nt, nen_row, ntn_row, cand_emb)

# --- scband reference (transcript-rebuilt; emitter-appended) ---
"""Pipeline reference for scband-dy-graph-82154134438715 (READ-ONLY COPY).

The authoritative reference and input builder live on the scoring server;
editing this copy changes nothing except your own understanding.
"""

import jax, jax.numpy as jnp
import numpy as np

SEQ_LEN = 100
USER_LEN = 128
NUM_LOCS = 100000
K_CAND = 2048
D_VEC = 20
HIDDEN_DIM = 128
N_SEG = 24


def setup_inputs(seed: int = 0) -> dict:
    key = jax.random.key(seed)
    ks = jax.random.split(key, 20)
    inp = {}
    inp['x'] = jax.random.randint(ks[0], (SEQ_LEN, USER_LEN), 0, NUM_LOCS, dtype=jnp.int32)
    inp['x_t_slot'] = jax.random.randint(ks[1], (SEQ_LEN, USER_LEN), 0, N_SEG, dtype=jnp.int32)
    inp['candidate_number'] = jax.random.randint(ks[2], (K_CAND,), 0, NUM_LOCS, dtype=jnp.int32)
    inp['vecs_use'] = jax.random.normal(ks[3], (NUM_LOCS, D_VEC), dtype=jnp.float32)
    inp['x_embedding_network'] = jax.random.normal(ks[4], (NUM_LOCS, HIDDEN_DIM), dtype=jnp.float32) * 0.1
    inp['time_embeddings'] = jax.random.normal(ks[5], (N_SEG, D_VEC), dtype=jnp.float32) * 0.1
    s1 = 1.0 / np.sqrt(5 * D_VEC)
    s2 = 1.0 / np.sqrt(D_VEC)
    s3 = 1.0 / np.sqrt(2 * D_VEC)
    inp['W_seq1'] = jax.random.uniform(ks[6], (5 * D_VEC, D_VEC), jnp.float32, -s1, s1)
    inp['b_seq1'] = jnp.zeros((D_VEC,), jnp.float32)
    inp['W_seq2'] = jax.random.uniform(ks[7], (D_VEC, D_VEC), jnp.float32, -s2, s2)
    inp['b_seq2'] = jnp.zeros((D_VEC,), jnp.float32)
    inp['W_out1'] = jax.random.uniform(ks[8], (2 * D_VEC, D_VEC), jnp.float32, -s3, s3)
    inp['b_out1'] = jnp.zeros((D_VEC,), jnp.float32)
    inp['W_out2'] = jax.random.uniform(ks[9], (D_VEC, D_VEC), jnp.float32, -s2, s2)
    inp['b_out2'] = jnp.zeros((D_VEC,), jnp.float32)
    inp['W_in1'] = jax.random.uniform(ks[10], (2 * D_VEC, D_VEC), jnp.float32, -s3, s3)
    inp['b_in1'] = jnp.zeros((D_VEC,), jnp.float32)
    inp['W_in2'] = jax.random.uniform(ks[11], (D_VEC, D_VEC), jnp.float32, -s2, s2)
    inp['b_in2'] = jnp.zeros((D_VEC,), jnp.float32)
    return inp


def _pairwise_l2(a, b):
    aa = jnp.sum(a * a, axis=1, keepdims=True)
    bb = jnp.sum(b * b, axis=1)[None, :]
    d2 = aa - 2.0 * (a @ b.T) + bb
    return jnp.sqrt(jnp.maximum(d2, 1e-12))


def reference(x, x_t_slot, candidate_number, vecs_use, x_embedding_network, time_embeddings,
              W_seq1, b_seq1, W_seq2, b_seq2, W_out1, b_out1, W_out2, b_out2,
              W_in1, b_in1, W_in2, b_in2):
    seq_len, user_len = x.shape
    n = seq_len * user_len
    x_flat = x.reshape(-1)
    x_emb_flat = jnp.take(vecs_use, x_flat, axis=0)
    x_emb = x_emb_flat.reshape(seq_len, user_len, D_VEC)

    def shift(e, k):
        return jnp.concatenate([e[:k], e[:seq_len - k]], axis=0)

    hist = jnp.concatenate([shift(x_emb, 4), shift(x_emb, 3), shift(x_emb, 2), shift(x_emb, 1), x_emb], axis=-1).reshape(n, 5 * D_VEC)
    q = jax.nn.relu(hist @ W_seq1 + b_seq1) @ W_seq2 + b_seq2

    t_emb = jnp.take(time_embeddings, x_t_slot.reshape(-1), axis=0)
    comb = jnp.concatenate([x_emb_flat, t_emb], axis=-1)
    xi_out = jax.nn.relu(comb @ W_out1 + b_out1) @ W_out2 + b_out2

    rand_t = jnp.broadcast_to(time_embeddings[0], (vecs_use.shape[0], D_VEC))
    vo = jnp.concatenate([vecs_use, rand_t], axis=-1)
    vec_output = jax.nn.relu(vo @ W_in1 + b_in1) @ W_in2 + b_in2

    neigh_e = jnp.take(vecs_use, candidate_number, axis=0)
    neigh_t = jnp.take(vec_output, candidate_number, axis=0)
    d_e = _pairwise_l2(q, neigh_e)
    d_t = _pairwise_l2(xi_out, neigh_t)
    score = jnp.exp(-0.015 * d_e - 0.005 * d_t)

    values, indices = jax.lax.top_k(score, 10)
    idx_emb = jnp.take(candidate_number, indices.reshape(-1), axis=0)
    emb_neigh = jnp.take(x_embedding_network, idx_emb, axis=0).reshape(n, 10, HIDDEN_DIM)
    self_emb = jnp.take(x_embedding_network, x_flat, axis=0)[:, None, :]
    emb_all = jnp.concatenate([emb_neigh, self_emb], axis=1)
    vals = jnp.concatenate([values, jnp.ones((n, 1), jnp.float32)], axis=-1)
    w = jax.nn.softmax(vals, axis=-1)
    return jnp.sum(emb_all * w[:, :, None], axis=1)

if __name__ == "__main__":
    import jax
    _d = setup_inputs()
    print(jax.jit(kernel)(*tuple(_d.values())))

</pallas_src>

<mosaic_0001>
#map = affine_map<(d0, d1) -> (0, 0)>
#map1 = affine_map<(d0, d1) -> (0)>
module attributes {stable_mosaic.version = 14 : i64} {
  func.func @gather(%arg0: i32, %arg1: i32, %arg2: memref<100000x128xf32, #tpu.memory_space<hbm>>, %arg3: memref<100000x128xf32, #tpu.memory_space<hbm>>, %arg4: memref<12800xi32, #tpu.memory_space<hbm>>, %arg5: memref<2048xi32, #tpu.memory_space<hbm>>, %arg6: memref<12800x128xf32, #tpu.memory_space<hbm>>, %arg7: memref<12800x128xf32, #tpu.memory_space<hbm>>, %arg8: memref<2048x128xf32, #tpu.memory_space<hbm>>, %arg9: memref<2048x128xf32, #tpu.memory_space<hbm>>, %arg10: memref<400xi32, #tpu.memory_space<vmem>>, %arg11: memref<64xi32, #tpu.memory_space<vmem>>, %arg12: memref<400x128xf32, #tpu.memory_space<vmem>>, %arg13: memref<400x128xf32, #tpu.memory_space<vmem>>, %arg14: memref<64x128xf32, #tpu.memory_space<vmem>>, %arg15: memref<64x128xf32, #tpu.memory_space<vmem>>, %arg16: memref<!tpu.dma_semaphore, #tpu.memory_space<semaphore_mem>>) attributes {dimension_semantics = [#tpu.dimension_semantics<core_parallel>, #tpu.dimension_semantics<subcore_parallel>], iteration_bounds = array<i64: 2, 16>, scalar_prefetch = 0 : i64, scratch_operands = 7 : i64, tpu.core_type = #tpu.core_type<sc_vector_subcore>, window_params = [{transform_indices = #map}, {transform_indices = #map}, {transform_indices = #map1}, {transform_indices = #map1}, {transform_indices = #map}, {transform_indices = #map}, {transform_indices = #map}, {transform_indices = #map}]} {
    %mul3A = arith.constant 2 : i32
    %mul3A_0 = arith.muli %arg1, %mul3A : i32
    %add3A = arith.addi %mul3A_0, %arg0 : i32
    %mul3A_1 = arith.constant 400 : i32
    %mul3A_2 = arith.muli %add3A, %mul3A_1 : i32
    "tpu.region"() ({
      %run_scoped3A = tpu.sem_alloc : memref<!tpu.dma_semaphore, #tpu.memory_space<semaphore_mem>>
      %dma_start3A_27 = tpu.memref_slice %arg4[%mul3A_2] : memref<12800xi32, #tpu.memory_space<hbm>> -> memref<400xi32, #tpu.memory_space<hbm>>
      %dma_start3A_28 = tpu.memref_slice %arg4[%mul3A_2] : memref<12800xi32, #tpu.memory_space<hbm>> -> memref<400xi32, #tpu.memory_space<hbm>>
      tpu.enqueue_dma source(%dma_start3A_28 : memref<400xi32, #tpu.memory_space<hbm>>) target(%arg10 : memref<400xi32, #tpu.memory_space<vmem>>) target_semaphore(%run_scoped3A : memref<!tpu.dma_semaphore, #tpu.memory_space<semaphore_mem>>)
      %dma_wait3A_29 = tpu.memref_slice %arg4[%mul3A_2] : memref<12800xi32, #tpu.memory_space<hbm>> -> memref<400xi32, #tpu.memory_space<hbm>>
      %dma_wait3A_30 = tpu.memref_slice %arg4[%mul3A_2] : memref<12800xi32, #tpu.memory_space<hbm>> -> memref<400xi32, #tpu.memory_space<hbm>>
      tpu.wait_dma2 semaphore(%run_scoped3A : memref<!tpu.dma_semaphore, #tpu.memory_space<semaphore_mem>>) src(%dma_wait3A_30 : memref<400xi32, #tpu.memory_space<hbm>>) dst(%arg10 : memref<400xi32, #tpu.memory_space<vmem>>)
      tpu.yield
    }) : () -> ()
    %dma_start3A = arith.constant 0 : i32
    %dma_start3A_3 = arith.constant 0 : i32
    %dma_start3A_4 = tpu.memref_slice %arg2[%dma_start3A, %dma_start3A_3] : memref<100000x128xf32, #tpu.memory_space<hbm>> -> memref<100000x128xf32, #tpu.memory_space<hbm>>
    tpu.enqueue_indirect_dma source(%dma_start3A_4 : memref<100000x128xf32, #tpu.memory_space<hbm>>) target(%arg12 : memref<400x128xf32, #tpu.memory_space<vmem>>) offsets(%arg10 : memref<400xi32, #tpu.memory_space<vmem>>) semaphore(%arg16 : memref<!tpu.dma_semaphore, #tpu.memory_space<semaphore_mem>>)
    %dma_wait3A = arith.constant 0 : i32
    %dma_wait3A_5 = arith.constant 0 : i32
    %dma_wait3A_6 = tpu.memref_slice %arg2[%dma_wait3A, %dma_wait3A_5] : memref<100000x128xf32, #tpu.memory_space<hbm>> -> memref<100000x128xf32, #tpu.memory_space<hbm>>
    tpu.wait_indirect_dma semaphore(%arg16 : memref<!tpu.dma_semaphore, #tpu.memory_space<semaphore_mem>>) src(%dma_wait3A_6 : memref<100000x128xf32, #tpu.memory_space<hbm>>) dst(%arg12 : memref<400x128xf32, #tpu.memory_space<vmem>>)
    "tpu.region"() ({
      %run_scoped3A = tpu.sem_alloc : memref<!tpu.dma_semaphore, #tpu.memory_space<semaphore_mem>>
      %dma_start3A_27 = arith.constant 0 : i32
      %dma_start3A_28 = tpu.memref_slice %arg6[%mul3A_2, %dma_start3A_27] : memref<12800x128xf32, #tpu.memory_space<hbm>> -> memref<400x128xf32, #tpu.memory_space<hbm>>
      %dma_start3A_29 = arith.constant 0 : i32
      %dma_start3A_30 = tpu.memref_slice %arg6[%mul3A_2, %dma_start3A_29] : memref<12800x128xf32, #tpu.memory_space<hbm>> -> memref<400x128xf32, #tpu.memory_space<hbm>>
      tpu.enqueue_dma source(%arg12 : memref<400x128xf32, #tpu.memory_space<vmem>>) target(%dma_start3A_30 : memref<400x128xf32, #tpu.memory_space<hbm>>) target_semaphore(%run_scoped3A : memref<!tpu.dma_semaphore, #tpu.memory_space<semaphore_mem>>)
      %dma_wait3A_31 = arith.constant 0 : i32
      %dma_wait3A_32 = tpu.memref_slice %arg6[%mul3A_2, %dma_wait3A_31] : memref<12800x128xf32, #tpu.memory_space<hbm>> -> memref<400x128xf32, #tpu.memory_space<hbm>>
      %dma_wait3A_33 = arith.constant 0 : i32
      %dma_wait3A_34 = tpu.memref_slice %arg6[%mul3A_2, %dma_wait3A_33] : memref<12800x128xf32, #tpu.memory_space<hbm>> -> memref<400x128xf32, #tpu.memory_space<hbm>>
      tpu.wait_dma2 semaphore(%run_scoped3A : memref<!tpu.dma_semaphore, #tpu.memory_space<semaphore_mem>>) src(%arg12 : memref<400x128xf32, #tpu.memory_space<vmem>>) dst(%dma_wait3A_34 : memref<400x128xf32, #tpu.memory_space<hbm>>)
      tpu.yield
    }) : () -> ()
    %dma_start3A_7 = arith.constant 0 : i32
    %dma_start3A_8 = arith.constant 0 : i32
    %dma_start3A_9 = tpu.memref_slice %arg3[%dma_start3A_7, %dma_start3A_8] : memref<100000x128xf32, #tpu.memory_space<hbm>> -> memref<100000x128xf32, #tpu.memory_space<hbm>>
    tpu.enqueue_indirect_dma source(%dma_start3A_9 : memref<100000x128xf32, #tpu.memory_space<hbm>>) target(%arg13 : memref<400x128xf32, #tpu.memory_space<vmem>>) offsets(%arg10 : memref<400xi32, #tpu.memory_space<vmem>>) semaphore(%arg16 : memref<!tpu.dma_semaphore, #tpu.memory_space<semaphore_mem>>)
    %dma_wait3A_10 = arith.constant 0 : i32
    %dma_wait3A_11 = arith.constant 0 : i32
    %dma_wait3A_12 = tpu.memref_slice %arg3[%dma_wait3A_10, %dma_wait3A_11] : memref<100000x128xf32, #tpu.memory_space<hbm>> -> memref<100000x128xf32, #tpu.memory_space<hbm>>
    tpu.wait_indirect_dma semaphore(%arg16 : memref<!tpu.dma_semaphore, #tpu.memory_space<semaphore_mem>>) src(%dma_wait3A_12 : memref<100000x128xf32, #tpu.memory_space<hbm>>) dst(%arg13 : memref<400x128xf32, #tpu.memory_space<vmem>>)
    "tpu.region"() ({
      %run_scoped3A = tpu.sem_alloc : memref<!tpu.dma_semaphore, #tpu.memory_space<semaphore_mem>>
      %dma_start3A_27 = arith.constant 0 : i32
      %dma_start3A_28 = tpu.memref_slice %arg7[%mul3A_2, %dma_start3A_27] : memref<12800x128xf32, #tpu.memory_space<hbm>> -> memref<400x128xf32, #tpu.memory_space<hbm>>
      %dma_start3A_29 = arith.constant 0 : i32
      %dma_start3A_30 = tpu.memref_slice %arg7[%mul3A_2, %dma_start3A_29] : memref<12800x128xf32, #tpu.memory_space<hbm>> -> memref<400x128xf32, #tpu.memory_space<hbm>>
      tpu.enqueue_dma source(%arg13 : memref<400x128xf32, #tpu.memory_space<vmem>>) target(%dma_start3A_30 : memref<400x128xf32, #tpu.memory_space<hbm>>) target_semaphore(%run_scoped3A : memref<!tpu.dma_semaphore, #tpu.memory_space<semaphore_mem>>)
      %dma_wait3A_31 = arith.constant 0 : i32
      %dma_wait3A_32 = tpu.memref_slice %arg7[%mul3A_2, %dma_wait3A_31] : memref<12800x128xf32, #tpu.memory_space<hbm>> -> memref<400x128xf32, #tpu.memory_space<hbm>>
      %dma_wait3A_33 = arith.constant 0 : i32
      %dma_wait3A_34 = tpu.memref_slice %arg7[%mul3A_2, %dma_wait3A_33] : memref<12800x128xf32, #tpu.memory_space<hbm>> -> memref<400x128xf32, #tpu.memory_space<hbm>>
      tpu.wait_dma2 semaphore(%run_scoped3A : memref<!tpu.dma_semaphore, #tpu.memory_space<semaphore_mem>>) src(%arg13 : memref<400x128xf32, #tpu.memory_space<vmem>>) dst(%dma_wait3A_34 : memref<400x128xf32, #tpu.memory_space<hbm>>)
      tpu.yield
    }) : () -> ()
    %mul3A_13 = arith.constant 64 : i32
    %mul3A_14 = arith.muli %add3A, %mul3A_13 : i32
    "tpu.region"() ({
      %run_scoped3A = tpu.sem_alloc : memref<!tpu.dma_semaphore, #tpu.memory_space<semaphore_mem>>
      %dma_start3A_27 = tpu.memref_slice %arg5[%mul3A_14] : memref<2048xi32, #tpu.memory_space<hbm>> -> memref<64xi32, #tpu.memory_space<hbm>>
      %dma_start3A_28 = tpu.memref_slice %arg5[%mul3A_14] : memref<2048xi32, #tpu.memory_space<hbm>> -> memref<64xi32, #tpu.memory_space<hbm>>
      tpu.enqueue_dma source(%dma_start3A_28 : memref<64xi32, #tpu.memory_space<hbm>>) target(%arg11 : memref<64xi32, #tpu.memory_space<vmem>>) target_semaphore(%run_scoped3A : memref<!tpu.dma_semaphore, #tpu.memory_space<semaphore_mem>>)
      %dma_wait3A_29 = tpu.memref_slice %arg5[%mul3A_14] : memref<2048xi32, #tpu.memory_space<hbm>> -> memref<64xi32, #tpu.memory_space<hbm>>
      %dma_wait3A_30 = tpu.memref_slice %arg5[%mul3A_14] : memref<2048xi32, #tpu.memory_space<hbm>> -> memref<64xi32, #tpu.memory_space<hbm>>
      tpu.wait_dma2 semaphore(%run_scoped3A : memref<!tpu.dma_semaphore, #tpu.memory_space<semaphore_mem>>) src(%dma_wait3A_30 : memref<64xi32, #tpu.memory_space<hbm>>) dst(%arg11 : memref<64xi32, #tpu.memory_space<vmem>>)
      tpu.yield
    }) : () -> ()
    %dma_start3A_15 = arith.constant 0 : i32
    %dma_start3A_16 = arith.constant 0 : i32
    %dma_start3A_17 = tpu.memref_slice %arg2[%dma_start3A_15, %dma_start3A_16] : memref<100000x128xf32, #tpu.memory_space<hbm>> -> memref<100000x128xf32, #tpu.memory_space<hbm>>
    tpu.enqueue_indirect_dma source(%dma_start3A_17 : memref<100000x128xf32, #tpu.memory_space<hbm>>) target(%arg14 : memref<64x128xf32, #tpu.memory_space<vmem>>) offsets(%arg11 : memref<64xi32, #tpu.memory_space<vmem>>) semaphore(%arg16 : memref<!tpu.dma_semaphore, #tpu.memory_space<semaphore_mem>>)
    %dma_wait3A_18 = arith.constant 0 : i32
    %dma_wait3A_19 = arith.constant 0 : i32
    %dma_wait3A_20 = tpu.memref_slice %arg2[%dma_wait3A_18, %dma_wait3A_19] : memref<100000x128xf32, #tpu.memory_space<hbm>> -> memref<100000x128xf32, #tpu.memory_space<hbm>>
    tpu.wait_indirect_dma semaphore(%arg16 : memref<!tpu.dma_semaphore, #tpu.memory_space<semaphore_mem>>) src(%dma_wait3A_20 : memref<100000x128xf32, #tpu.memory_space<hbm>>) dst(%arg14 : memref<64x128xf32, #tpu.memory_space<vmem>>)
    "tpu.region"() ({
      %run_scoped3A = tpu.sem_alloc : memref<!tpu.dma_semaphore, #tpu.memory_space<semaphore_mem>>
      %dma_start3A_27 = arith.constant 0 : i32
      %dma_start3A_28 = tpu.memref_slice %arg8[%mul3A_14, %dma_start3A_27] : memref<2048x128xf32, #tpu.memory_space<hbm>> -> memref<64x128xf32, #tpu.memory_space<hbm>>
      %dma_start3A_29 = arith.constant 0 : i32
      %dma_start3A_30 = tpu.memref_slice %arg8[%mul3A_14, %dma_start3A_29] : memref<2048x128xf32, #tpu.memory_space<hbm>> -> memref<64x128xf32, #tpu.memory_space<hbm>>
      tpu.enqueue_dma source(%arg14 : memref<64x128xf32, #tpu.memory_space<vmem>>) target(%dma_start3A_30 : memref<64x128xf32, #tpu.memory_space<hbm>>) target_semaphore(%run_scoped3A : memref<!tpu.dma_semaphore, #tpu.memory_space<semaphore_mem>>)
      %dma_wait3A_31 = arith.constant 0 : i32
      %dma_wait3A_32 = tpu.memref_slice %arg8[%mul3A_14, %dma_wait3A_31] : memref<2048x128xf32, #tpu.memory_space<hbm>> -> memref<64x128xf32, #tpu.memory_space<hbm>>
      %dma_wait3A_33 = arith.constant 0 : i32
      %dma_wait3A_34 = tpu.memref_slice %arg8[%mul3A_14, %dma_wait3A_33] : memref<2048x128xf32, #tpu.memory_space<hbm>> -> memref<64x128xf32, #tpu.memory_space<hbm>>
      tpu.wait_dma2 semaphore(%run_scoped3A : memref<!tpu.dma_semaphore, #tpu.memory_space<semaphore_mem>>) src(%arg14 : memref<64x128xf32, #tpu.memory_space<vmem>>) dst(%dma_wait3A_34 : memref<64x128xf32, #tpu.memory_space<hbm>>)
      tpu.yield
    }) : () -> ()
    %dma_start3A_21 = arith.constant 0 : i32
    %dma_start3A_22 = arith.constant 0 : i32
    %dma_start3A_23 = tpu.memref_slice %arg3[%dma_start3A_21, %dma_start3A_22] : memref<100000x128xf32, #tpu.memory_space<hbm>> -> memref<100000x128xf32, #tpu.memory_space<hbm>>
    tpu.enqueue_indirect_dma source(%dma_start3A_23 : memref<100000x128xf32, #tpu.memory_space<hbm>>) target(%arg15 : memref<64x128xf32, #tpu.memory_space<vmem>>) offsets(%arg11 : memref<64xi32, #tpu.memory_space<vmem>>) semaphore(%arg16 : memref<!tpu.dma_semaphore, #tpu.memory_space<semaphore_mem>>)
    %dma_wait3A_24 = arith.constant 0 : i32
    %dma_wait3A_25 = arith.constant 0 : i32
    %dma_wait3A_26 = tpu.memref_slice %arg3[%dma_wait3A_24, %dma_wait3A_25] : memref<100000x128xf32, #tpu.memory_space<hbm>> -> memref<100000x128xf32, #tpu.memory_space<hbm>>
    tpu.wait_indirect_dma semaphore(%arg16 : memref<!tpu.dma_semaphore, #tpu.memory_space<semaphore_mem>>) src(%dma_wait3A_26 : memref<100000x128xf32, #tpu.memory_space<hbm>>) dst(%arg15 : memref<64x128xf32, #tpu.memory_space<vmem>>)
    "tpu.region"() ({
      %run_scoped3A = tpu.sem_alloc : memref<!tpu.dma_semaphore, #tpu.memory_space<semaphore_mem>>
      %dma_start3A_27 = arith.constant 0 : i32
      %dma_start3A_28 = tpu.memref_slice %arg9[%mul3A_14, %dma_start3A_27] : memref<2048x128xf32, #tpu.memory_space<hbm>> -> memref<64x128xf32, #tpu.memory_space<hbm>>
      %dma_start3A_29 = arith.constant 0 : i32
      %dma_start3A_30 = tpu.memref_slice %arg9[%mul3A_14, %dma_start3A_29] : memref<2048x128xf32, #tpu.memory_space<hbm>> -> memref<64x128xf32, #tpu.memory_space<hbm>>
      tpu.enqueue_dma source(%arg15 : memref<64x128xf32, #tpu.memory_space<vmem>>) target(%dma_start3A_30 : memref<64x128xf32, #tpu.memory_space<hbm>>) target_semaphore(%run_scoped3A : memref<!tpu.dma_semaphore, #tpu.memory_space<semaphore_mem>>)
      %dma_wait3A_31 = arith.constant 0 : i32
      %dma_wait3A_32 = tpu.memref_slice %arg9[%mul3A_14, %dma_wait3A_31] : memref<2048x128xf32, #tpu.memory_space<hbm>> -> memref<64x128xf32, #tpu.memory_space<hbm>>
      %dma_wait3A_33 = arith.constant 0 : i32
      %dma_wait3A_34 = tpu.memref_slice %arg9[%mul3A_14, %dma_wait3A_33] : memref<2048x128xf32, #tpu.memory_space<hbm>> -> memref<64x128xf32, #tpu.memory_space<hbm>>
      tpu.wait_dma2 semaphore(%run_scoped3A : memref<!tpu.dma_semaphore, #tpu.memory_space<semaphore_mem>>) src(%arg15 : memref<64x128xf32, #tpu.memory_space<vmem>>) dst(%dma_wait3A_34 : memref<64x128xf32, #tpu.memory_space<hbm>>)
      tpu.yield
    }) : () -> ()
    return
  }
}

module attributes {stable_mosaic.version = 14 : i64} {
  func.func @_prep_body(%arg0: i32, %arg1: memref<100x32x32xf32, #tpu.memory_space<vmem>>, %arg2: memref<100x32x1xi32, #tpu.memory_space<vmem>>, %arg3: memref<2048x32xf32, #tpu.memory_space<vmem>>, %arg4: memref<24x32xf32, #tpu.memory_space<vmem>>, %arg5: memref<100x32xf32, #tpu.memory_space<vmem>>, %arg6: memref<1x32xf32, #tpu.memory_space<vmem>>, %arg7: memref<32x32xf32, #tpu.memory_space<vmem>>, %arg8: memref<1x32xf32, #tpu.memory_space<vmem>>, %arg9: memref<40x32xf32, #tpu.memory_space<vmem>>, %arg10: memref<1x32xf32, #tpu.memory_space<vmem>>, %arg11: memref<32x32xf32, #tpu.memory_space<vmem>>, %arg12: memref<1x32xf32, #tpu.memory_space<vmem>>, %arg13: memref<40x32xf32, #tpu.memory_space<vmem>>, %arg14: memref<1x32xf32, #tpu.memory_space<vmem>>, %arg15: memref<32x32xf32, #tpu.memory_space<vmem>>, %arg16: memref<1x32xf32, #tpu.memory_space<vmem>>, %arg17: memref<100x32x32xf32, #tpu.memory_space<vmem>>, %arg18: memref<100x32x1xf32, #tpu.memory_space<vmem>>, %arg19: memref<100x32x32xf32, #tpu.memory_space<vmem>>, %arg20: memref<100x32x1xf32, #tpu.memory_space<vmem>>, %arg21: memref<2048x32xf32, #tpu.memory_space<vmem>>, %arg22: memref<2048x1xf32, #tpu.memory_space<vmem>>, %arg23: memref<2048x1xf32, #tpu.memory_space<vmem>>) attributes {dimension_semantics = [#tpu.dimension_semantics<arbitrary>], iteration_bounds = array<i64: 4>, scalar_prefetch = 0 : i64, scratch_operands = 0 : i64, tpu.core_type = #tpu.core_type<tc>, window_params = [{transform_indices = @transform_0, window_bounds = array<i64: 100, 32, 32>}, {transform_indices = @transform_1, window_bounds = array<i64: 100, 32, 1>}, {pipeline_mode = #tpu.pipeline_mode<synchronous>, transform_indices = @transform_2, window_bounds = array<i64: 2048, 32>}, {pipeline_mode = #tpu.pipeline_mode<synchronous>, transform_indices = @transform_3, window_bounds = array<i64: 24, 32>}, {pipeline_mode = #tpu.pipeline_mode<synchronous>, transform_indices = @transform_4, window_bounds = array<i64: 100, 32>}, {pipeline_mode = #tpu.pipeline_mode<synchronous>, transform_indices = @transform_5, window_bounds = array<i64: 1, 32>}, {pipeline_mode = #tpu.pipeline_mode<synchronous>, transform_indices = @transform_6, window_bounds = array<i64: 32, 32>}, {pipeline_mode = #tpu.pipeline_mode<synchronous>, transform_indices = @transform_7, window_bounds = array<i64: 1, 32>}, {pipeline_mode = #tpu.pipeline_mode<synchronous>, transform_indices = @transform_8, window_bounds = array<i64: 40, 32>}, {pipeline_mode = #tpu.pipeline_mode<synchronous>, transform_indices = @transform_9, window_bounds = array<i64: 1, 32>}, {pipeline_mode = #tpu.pipeline_mode<synchronous>, transform_indices = @transform_10, window_bounds = array<i64: 32, 32>}, {pipeline_mode = #tpu.pipeline_mode<synchronous>, transform_indices = @transform_11, window_bounds = array<i64: 1, 32>}, {pipeline_mode = #tpu.pipeline_mode<synchronous>, transform_indices = @transform_12, window_bounds = array<i64: 40, 32>}, {pipeline_mode = #tpu.pipeline_mode<synchronous>, transform_indices = @transform_13, window_bounds = array<i64: 1, 32>}, {pipeline_mode = #tpu.pipeline_mode<synchronous>, transform_indices = @transform_14, window_bounds = array<i64: 32, 32>}, {pipeline_mode = #tpu.pipeline_mode<synchronous>, transform_indices = @transform_15, window_bounds = array<i64: 1, 32>}, {transform_indices = @transform_16, window_bounds = array<i64: 100, 32, 32>}, {transform_indices = @transform_17, window_bounds = array<i64: 100, 32, 1>}, {transform_indices = @transform_18, window_bounds = array<i64: 100, 32, 32>}, {transform_indices = @transform_19, window_bounds = array<i64: 100, 32, 1>}, {pipeline_mode = #tpu.pipeline_mode<synchronous>, transform_indices = @transform_20, window_bounds = array<i64: 2048, 32>}, {pipeline_mode = #tpu.pipeline_mode<synchronous>, transform_indices = @transform_21, window_bounds = array<i64: 2048, 1>}, {pipeline_mode = #tpu.pipeline_mode<synchronous>, transform_indices = @transform_22, window_bounds = array<i64: 2048, 1>}]} {
    %get3A = arith.constant 0 : index
    %get3A_0 = arith.constant 0 : index
    %get3A_1 = arith.constant 0 : index
    %get3A_2 = vector.load %arg1[%get3A, %get3A_0, %get3A_1] : memref<100x32x32xf32, #tpu.memory_space<vmem>>, vector<100x32x32xf32>
    %slice3A = vector.extract_strided_slice %get3A_2 {offsets = [0, 0, 0], sizes = [4, 32, 32], strides = [1, 1, 1]} : vector<100x32x32xf32> to vector<4x32x32xf32>
    %slice3A_3 = vector.extract_strided_slice %get3A_2 {offsets = [0, 0, 0], sizes = [96, 32, 32], strides = [1, 1, 1]} : vector<100x32x32xf32> to vector<96x32x32xf32>
    %concatenate3A = tpu.concatenate %slice3A, %slice3A_3 in 0 : vector<4x32x32xf32>, vector<96x32x32xf32> -> vector<100x32x32xf32>
    %reshape3A = vector.shape_cast %concatenate3A : vector<100x32x32xf32> to vector<3200x32xf32>
    %slice3A_4 = vector.extract_strided_slice %reshape3A {offsets = [0, 0], sizes = [3200, 20], strides = [1, 1]} : vector<3200x32xf32> to vector<3200x20xf32>
    %slice3A_5 = vector.extract_strided_slice %get3A_2 {offsets = [0, 0, 0], sizes = [3, 32, 32], strides = [1, 1, 1]} : vector<100x32x32xf32> to vector<3x32x32xf32>
    %slice3A_6 = vector.extract_strided_slice %get3A_2 {offsets = [0, 0, 0], sizes = [97, 32, 32], strides = [1, 1, 1]} : vector<100x32x32xf32> to vector<97x32x32xf32>
    %concatenate3A_7 = tpu.concatenate %slice3A_5, %slice3A_6 in 0 : vector<3x32x32xf32>, vector<97x32x32xf32> -> vector<100x32x32xf32>
    %reshape3A_8 = vector.shape_cast %concatenate3A_7 : vector<100x32x32xf32> to vector<3200x32xf32>
    %slice3A_9 = vector.extract_strided_slice %reshape3A_8 {offsets = [0, 0], sizes = [3200, 20], strides = [1, 1]} : vector<3200x32xf32> to vector<3200x20xf32>
    %slice3A_10 = vector.extract_strided_slice %get3A_2 {offsets = [0, 0, 0], sizes = [2, 32, 32], strides = [1, 1, 1]} : vector<100x32x32xf32> to vector<2x32x32xf32>
    %slice3A_11 = vector.extract_strided_slice %get3A_2 {offsets = [0, 0, 0], sizes = [98, 32, 32], strides = [1, 1, 1]} : vector<100x32x32xf32> to vector<98x32x32xf32>
    %concatenate3A_12 = tpu.concatenate %slice3A_10, %slice3A_11 in 0 : vector<2x32x32xf32>, vector<98x32x32xf32> -> vector<100x32x32xf32>
    %reshape3A_13 = vector.shape_cast %concatenate3A_12 : vector<100x32x32xf32> to vector<3200x32xf32>
    %slice3A_14 = vector.extract_strided_slice %reshape3A_13 {offsets = [0, 0], sizes = [3200, 20], strides = [1, 1]} : vector<3200x32xf32> to vector<3200x20xf32>
    %slice3A_15 = vector.extract_strided_slice %get3A_2 {offsets = [0, 0, 0], sizes = [1, 32, 32], strides = [1, 1, 1]} : vector<100x32x32xf32> to vector<1x32x32xf32>
    %slice3A_16 = vector.extract_strided_slice %get3A_2 {offsets = [0, 0, 0], sizes = [99, 32, 32], strides = [1, 1, 1]} : vector<100x32x32xf32> to vector<99x32x32xf32>
    %concatenate3A_17 = tpu.concatenate %slice3A_15, %slice3A_16 in 0 : vector<1x32x32xf32>, vector<99x32x32xf32> -> vector<100x32x32xf32>
    %reshape3A_18 = vector.shape_cast %concatenate3A_17 : vector<100x32x32xf32> to vector<3200x32xf32>
    %slice3A_19 = vector.extract_strided_slice %reshape3A_18 {offsets = [0, 0], sizes = [3200, 20], strides = [1, 1]} : vector<3200x32xf32> to vector<3200x20xf32>
    %reshape3A_20 = vector.shape_cast %get3A_2 : vector<100x32x32xf32> to vector<3200x32xf32>
    %slice3A_21 = vector.extract_strided_slice %reshape3A_20 {offsets = [0, 0], sizes = [3200, 20], strides = [1, 1]} : vector<3200x32xf32> to vector<3200x20xf32>
    %concatenate3A_22 = tpu.concatenate %slice3A_4, %slice3A_9, %slice3A_14, %slice3A_19, %slice3A_21 in 1 : vector<3200x20xf32>, vector<3200x20xf32>, vector<3200x20xf32>, vector<3200x20xf32>, vector<3200x20xf32> -> vector<3200x100xf32>
    %get3A_23 = arith.constant 0 : index
    %get3A_24 = arith.constant 0 : index
    %get3A_25 = vector.load %arg5[%get3A_23, %get3A_24] : memref<100x32xf32, #tpu.memory_space<vmem>>, vector<100x32xf32>
    %dot_general3A = arith.constant dense<0.000000e+00> : vector<3200x32xf32>
    %dot_general3A_26 = tpu.matmul %concatenate3A_22, %get3A_25, %dot_general3A {dimension_numbers = #tpu.dot_dimension_numbers<[1], [0], [0], [1], [0, 0, 1, 1], [], []>, transpose_lhs_hint = false} : vector<3200x100xf32>, vector<100x32xf32>, vector<3200x32xf32> -> vector<3200x32xf32>
    %get3A_27 = arith.constant 0 : index
    %get3A_28 = arith.constant 0 : index
    %get3A_29 = vector.load %arg6[%get3A_27, %get3A_28] : memref<1x32xf32, #tpu.memory_space<vmem>>, vector<1x32xf32>
    %add3A = vector.broadcast %get3A_29 : vector<1x32xf32> to vector<3200x32xf32>
    %add3A_30 = arith.addf %dot_general3A_26, %add3A : vector<3200x32xf32>
    %max3A = arith.constant 0.000000e+00 : f32
    %max3A_31 = vector.broadcast %max3A : f32 to vector<3200x32xf32>
    %max3A_32 = arith.maximumf %add3A_30, %max3A_31 : vector<3200x32xf32>
    %get3A_33 = arith.constant 0 : index
    %get3A_34 = arith.constant 0 : index
    %get3A_35 = vector.load %arg7[%get3A_33, %get3A_34] : memref<32x32xf32, #tpu.memory_space<vmem>>, vector<32x32xf32>
    %dot_general3A_36 = arith.constant dense<0.000000e+00> : vector<3200x32xf32>
    %dot_general3A_37 = tpu.matmul %max3A_32, %get3A_35, %dot_general3A_36 {dimension_numbers = #tpu.dot_dimension_numbers<[1], [0], [0], [1], [0, 0, 1, 1], [], []>, transpose_lhs_hint = false} : vector<3200x32xf32>, vector<32x32xf32>, vector<3200x32xf32> -> vector<3200x32xf32>
    %get3A_38 = arith.constant 0 : index
    %get3A_39 = arith.constant 0 : index
    %get3A_40 = vector.load %arg8[%get3A_38, %get3A_39] : memref<1x32xf32, #tpu.memory_space<vmem>>, vector<1x32xf32>
    %add3A_41 = vector.broadcast %get3A_40 : vector<1x32xf32> to vector<3200x32xf32>
    %add3A_42 = arith.addf %dot_general3A_37, %add3A_41 : vector<3200x32xf32>
    %reshape3A_43 = vector.shape_cast %add3A_42 : vector<3200x32xf32> to vector<100x32x32xf32>
    %swap3A = arith.constant 0 : index
    %swap3A_44 = arith.constant 0 : index
    %swap3A_45 = arith.constant 0 : index
    %swap3A_46 = vector.load %arg17[%swap3A, %swap3A_44, %swap3A_45] : memref<100x32x32xf32, #tpu.memory_space<vmem>>, vector<100x32x32xf32>
    tpu.vector_store %arg17[%swap3A, %swap3A_44, %swap3A_45], %reshape3A_43 {strides = array<i32>} : memref<100x32x32xf32, #tpu.memory_space<vmem>>, vector<100x32x32xf32>,
    %mul3A = arith.mulf %add3A_42, %add3A_42 : vector<3200x32xf32>
    %reduce_sum3A = arith.constant dense<0.000000e+00> : vector<3200xf32>
    %reduce_sum3A_47 = vector.multi_reduction <add>, %mul3A, %reduce_sum3A [1] : vector<3200x32xf32> to vector<3200xf32>
    %broadcast_in_dim3A = vector.shape_cast %reduce_sum3A_47 : vector<3200xf32> to vector<3200x1xf32>
    %reshape3A_48 = vector.shape_cast %broadcast_in_dim3A : vector<3200x1xf32> to vector<100x32x1xf32>
    %swap3A_49 = arith.constant 0 : index
    %swap3A_50 = arith.constant 0 : index
    %swap3A_51 = arith.constant 0 : index
    %swap3A_52 = vector.load %arg18[%swap3A_49, %swap3A_50, %swap3A_51] : memref<100x32x1xf32, #tpu.memory_space<vmem>>, vector<100x32x1xf32>
    tpu.vector_store %arg18[%swap3A_49, %swap3A_50, %swap3A_51], %reshape3A_48 {strides = array<i32>} : memref<100x32x1xf32, #tpu.memory_space<vmem>>, vector<100x32x1xf32>,
    %get3A_53 = arith.constant 0 : index
    %get3A_54 = arith.constant 0 : index
    %get3A_55 = arith.constant 0 : index
    %get3A_56 = vector.load %arg2[%get3A_53, %get3A_54, %get3A_55] : memref<100x32x1xi32, #tpu.memory_space<vmem>>, vector<100x32x1xi32>
    %reshape3A_57 = vector.shape_cast %get3A_56 : vector<100x32x1xi32> to vector<3200x1xi32>
    %iota3A = tpu.iota {dimensions = array<i32: 1>} : vector<3200x24xi32>
    %eq3A = vector.broadcast %reshape3A_57 : vector<3200x1xi32> to vector<3200x24xi32>
    %eq3A_58 = arith.cmpi eq, %eq3A, %iota3A : vector<3200x24xi32>
    %jit3A = arith.constant 1.000000e+00 : f32
    %jit3A_59 = arith.constant 0.000000e+00 : f32
    %broadcast_in_dim3A_60 = vector.broadcast %jit3A : f32 to vector<3200x24xf32>
    %broadcast_in_dim3A_61 = vector.broadcast %jit3A_59 : f32 to vector<3200x24xf32>
    %select_n3A = arith.select %eq3A_58, %broadcast_in_dim3A_60, %broadcast_in_dim3A_61 : vector<3200x24xi1>, vector<3200x24xf32>
    %get3A_62 = arith.constant 0 : index
    %get3A_63 = arith.constant 0 : index
    %get3A_64 = vector.load %arg4[%get3A_62, %get3A_63] : memref<24x32xf32, #tpu.memory_space<vmem>>, vector<24x32xf32>
    %dot_general3A_65 = arith.constant dense<0.000000e+00> : vector<3200x32xf32>
    %dot_general3A_66 = tpu.matmul %select_n3A, %get3A_64, %dot_general3A_65 {dimension_numbers = #tpu.dot_dimension_numbers<[1], [0], [0], [1], [0, 0, 1, 1], [], []>, precision = #tpu.contract_precision<fp32>, transpose_lhs_hint = false} : vector<3200x24xf32>, vector<24x32xf32>, vector<3200x32xf32> -> vector<3200x32xf32>
    %reshape3A_67 = vector.shape_cast %get3A_2 : vector<100x32x32xf32> to vector<3200x32xf32>
    %slice3A_68 = vector.extract_strided_slice %reshape3A_67 {offsets = [0, 0], sizes = [3200, 20], strides = [1, 1]} : vector<3200x32xf32> to vector<3200x20xf32>
    %slice3A_69 = vector.extract_strided_slice %dot_general3A_66 {offsets = [0, 0], sizes = [3200, 20], strides = [1, 1]} : vector<3200x32xf32> to vector<3200x20xf32>
    %concatenate3A_70 = tpu.concatenate %slice3A_68, %slice3A_69 in 1 : vector<3200x20xf32>, vector<3200x20xf32> -> vector<3200x40xf32>
    %get3A_71 = arith.constant 0 : index
    %get3A_72 = arith.constant 0 : index
    %get3A_73 = vector.load %arg9[%get3A_71, %get3A_72] : memref<40x32xf32, #tpu.memory_space<vmem>>, vector<40x32xf32>
    %dot_general3A_74 = arith.constant dense<0.000000e+00> : vector<3200x32xf32>
    %dot_general3A_75 = tpu.matmul %concatenate3A_70, %get3A_73, %dot_general3A_74 {dimension_numbers = #tpu.dot_dimension_numbers<[1], [0], [0], [1], [0, 0, 1, 1], [], []>, transpose_lhs_hint = false} : vector<3200x40xf32>, vector<40x32xf32>, vector<3200x32xf32> -> vector<3200x32xf32>
    %get3A_76 = arith.constant 0 : index
    %get3A_77 = arith.constant 0 : index
    %get3A_78 = vector.load %arg10[%get3A_76, %get3A_77] : memref<1x32xf32, #tpu.memory_space<vmem>>, vector<1x32xf32>
    %add3A_79 = vector.broadcast %get3A_78 : vector<1x32xf32> to vector<3200x32xf32>
    %add3A_80 = arith.addf %dot_general3A_75, %add3A_79 : vector<3200x32xf32>
    %max3A_81 = arith.constant 0.000000e+00 : f32
    %max3A_82 = vector.broadcast %max3A_81 : f32 to vector<3200x32xf32>
    %max3A_83 = arith.maximumf %add3A_80, %max3A_82 : vector<3200x32xf32>
    %get3A_84 = arith.constant 0 : index
    %get3A_85 = arith.constant 0 : index
    %get3A_86 = vector.load %arg11[%get3A_84, %get3A_85] : memref<32x32xf32, #tpu.memory_space<vmem>>, vector<32x32xf32>
    %dot_general3A_87 = arith.constant dense<0.000000e+00> : vector<3200x32xf32>
    %dot_general3A_88 = tpu.matmul %max3A_83, %get3A_86, %dot_general3A_87 {dimension_numbers = #tpu.dot_dimension_numbers<[1], [0], [0], [1], [0, 0, 1, 1], [], []>, transpose_lhs_hint = false} : vector<3200x32xf32>, vector<32x32xf32>, vector<3200x32xf32> -> vector<3200x32xf32>
    %get3A_89 = arith.constant 0 : index
    %get3A_90 = arith.constant 0 : index
    %get3A_91 = vector.load %arg12[%get3A_89, %get3A_90] : memref<1x32xf32, #tpu.memory_space<vmem>>, vector<1x32xf32>
    %add3A_92 = vector.broadcast %get3A_91 : vector<1x32xf32> to vector<3200x32xf32>
    %add3A_93 = arith.addf %dot_general3A_88, %add3A_92 : vector<3200x32xf32>
    %reshape3A_94 = vector.shape_cast %add3A_93 : vector<3200x32xf32> to vector<100x32x32xf32>
    %swap3A_95 = arith.constant 0 : index
    %swap3A_96 = arith.constant 0 : index
    %swap3A_97 = arith.constant 0 : index
    %swap3A_98 = vector.load %arg19[%swap3A_95, %swap3A_96, %swap3A_97] : memref<100x32x32xf32, #tpu.memory_space<vmem>>, vector<100x32x32xf32>
    tpu.vector_store %arg19[%swap3A_95, %swap3A_96, %swap3A_97], %reshape3A_94 {strides = array<i32>} : memref<100x32x32xf32, #tpu.memory_space<vmem>>, vector<100x32x32xf32>,
    %mul3A_99 = arith.mulf %add3A_93, %add3A_93 : vector<3200x32xf32>
    %reduce_sum3A_100 = arith.constant dense<0.000000e+00> : vector<3200xf32>
    %reduce_sum3A_101 = vector.multi_reduction <add>, %mul3A_99, %reduce_sum3A_100 [1] : vector<3200x32xf32> to vector<3200xf32>
    %broadcast_in_dim3A_102 = vector.shape_cast %reduce_sum3A_101 : vector<3200xf32> to vector<3200x1xf32>
    %reshape3A_103 = vector.shape_cast %broadcast_in_dim3A_102 : vector<3200x1xf32> to vector<100x32x1xf32>
    %swap3A_104 = arith.constant 0 : index
    %swap3A_105 = arith.constant 0 : index
    %swap3A_106 = arith.constant 0 : index
    %swap3A_107 = vector.load %arg20[%swap3A_104, %swap3A_105, %swap3A_106] : memref<100x32x1xf32, #tpu.memory_space<vmem>>, vector<100x32x1xf32>
    tpu.vector_store %arg20[%swap3A_104, %swap3A_105, %swap3A_106], %reshape3A_103 {strides = array<i32>} : memref<100x32x1xf32, #tpu.memory_space<vmem>>, vector<100x32x1xf32>,
    %get3A_108 = arith.constant 0 : index
    %get3A_109 = arith.constant 0 : index
    %get3A_110 = vector.load %arg3[%get3A_108, %get3A_109] : memref<2048x32xf32, #tpu.memory_space<vmem>>, vector<2048x32xf32>
    %get3A_111 = arith.constant 0 : index
    %get3A_112 = arith.constant 0 : index
    %get3A_113 = vector.load %arg4[%get3A_111, %get3A_112] : memref<24x32xf32, #tpu.memory_space<vmem>>, vector<1x20xf32>
    %broadcast_in_dim3A_114 = vector.shape_cast %get3A_113 : vector<1x20xf32> to vector<1x20xf32>
    %broadcast_in_dim3A_115 = vector.broadcast %broadcast_in_dim3A_114 : vector<1x20xf32> to vector<2048x20xf32>
    %slice3A_116 = vector.extract_strided_slice %get3A_110 {offsets = [0, 0], sizes = [2048, 20], strides = [1, 1]} : vector<2048x32xf32> to vector<2048x20xf32>
    %concatenate3A_117 = tpu.concatenate %slice3A_116, %broadcast_in_dim3A_115 in 1 : vector<2048x20xf32>, vector<2048x20xf32> -> vector<2048x40xf32>
    %get3A_118 = arith.constant 0 : index
    %get3A_119 = arith.constant 0 : index
    %get3A_120 = vector.load %arg13[%get3A_118, %get3A_119] : memref<40x32xf32, #tpu.memory_space<vmem>>, vector<40x32xf32>
    %dot_general3A_121 = arith.constant dense<0.000000e+00> : vector<2048x32xf32>
    %dot_general3A_122 = tpu.matmul %concatenate3A_117, %get3A_120, %dot_general3A_121 {dimension_numbers = #tpu.dot_dimension_numbers<[1], [0], [0], [1], [0, 0, 1, 1], [], []>, transpose_lhs_hint = false} : vector<2048x40xf32>, vector<40x32xf32>, vector<2048x32xf32> -> vector<2048x32xf32>
    %get3A_123 = arith.constant 0 : index
    %get3A_124 = arith.constant 0 : index
    %get3A_125 = vector.load %arg14[%get3A_123, %get3A_124] : memref<1x32xf32, #tpu.memory_space<vmem>>, vector<1x32xf32>
    %add3A_126 = vector.broadcast %get3A_125 : vector<1x32xf32> to vector<2048x32xf32>
    %add3A_127 = arith.addf %dot_general3A_122, %add3A_126 : vector<2048x32xf32>
    %max3A_128 = arith.constant 0.000000e+00 : f32
    %max3A_129 = vector.broadcast %max3A_128 : f32 to vector<2048x32xf32>
    %max3A_130 = arith.maximumf %add3A_127, %max3A_129 : vector<2048x32xf32>
    %get3A_131 = arith.constant 0 : index
    %get3A_132 = arith.constant 0 : index
    %get3A_133 = vector.load %arg15[%get3A_131, %get3A_132] : memref<32x32xf32, #tpu.memory_space<vmem>>, vector<32x32xf32>
    %dot_general3A_134 = arith.constant dense<0.000000e+00> : vector<2048x32xf32>
    %dot_general3A_135 = tpu.matmul %max3A_130, %get3A_133, %dot_general3A_134 {dimension_numbers = #tpu.dot_dimension_numbers<[1], [0], [0], [1], [0, 0, 1, 1], [], []>, transpose_lhs_hint = false} : vector<2048x32xf32>, vector<32x32xf32>, vector<2048x32xf32> -> vector<2048x32xf32>
    %get3A_136 = arith.constant 0 : index
    %get3A_137 = arith.constant 0 : index
    %get3A_138 = vector.load %arg16[%get3A_136, %get3A_137] : memref<1x32xf32, #tpu.memory_space<vmem>>, vector<1x32xf32>
    %add3A_139 = vector.broadcast %get3A_138 : vector<1x32xf32> to vector<2048x32xf32>
    %add3A_140 = arith.addf %dot_general3A_135, %add3A_139 : vector<2048x32xf32>
    %swap3A_141 = arith.constant 0 : index
    %swap3A_142 = arith.constant 0 : index
    %swap3A_143 = vector.load %arg21[%swap3A_141, %swap3A_142] : memref<2048x32xf32, #tpu.memory_space<vmem>>, vector<2048x32xf32>
    tpu.vector_store %arg21[%swap3A_141, %swap3A_142], %add3A_140 {strides = array<i32>} : memref<2048x32xf32, #tpu.memory_space<vmem>>, vector<2048x32xf32>,
    %mul3A_144 = arith.mulf %get3A_110, %get3A_110 : vector<2048x32xf32>
    %reduce_sum3A_145 = arith.constant dense<0.000000e+00> : vector<2048xf32>
    %reduce_sum3A_146 = vector.multi_reduction <add>, %mul3A_144, %reduce_sum3A_145 [1] : vector<2048x32xf32> to vector<2048xf32>
    %broadcast_in_dim3A_147 = vector.shape_cast %reduce_sum3A_146 : vector<2048xf32> to vector<2048x1xf32>
    %swap3A_148 = arith.constant 0 : index
    %swap3A_149 = arith.constant 0 : index
    %swap3A_150 = vector.load %arg22[%swap3A_148, %swap3A_149] : memref<2048x1xf32, #tpu.memory_space<vmem>>, vector<2048x1xf32>
    tpu.vector_store %arg22[%swap3A_148, %swap3A_149], %broadcast_in_dim3A_147 {strides = array<i32>} : memref<2048x1xf32, #tpu.memory_space<vmem>>, vector<2048x1xf32>,
    %mul3A_151 = arith.mulf %add3A_140, %add3A_140 : vector<2048x32xf32>
    %reduce_sum3A_152 = arith.constant dense<0.000000e+00> : vector<2048xf32>
    %reduce_sum3A_153 = vector.multi_reduction <add>, %mul3A_151, %reduce_sum3A_152 [1] : vector<2048x32xf32> to vector<2048xf32>
    %broadcast_in_dim3A_154 = vector.shape_cast %reduce_sum3A_153 : vector<2048xf32> to vector<2048x1xf32>
    %swap3A_155 = arith.constant 0 : index
    %swap3A_156 = arith.constant 0 : index
    %swap3A_157 = vector.load %arg23[%swap3A_155, %swap3A_156] : memref<2048x1xf32, #tpu.memory_space<vmem>>, vector<2048x1xf32>
    tpu.vector_store %arg23[%swap3A_155, %swap3A_156], %broadcast_in_dim3A_154 {strides = array<i32>} : memref<2048x1xf32, #tpu.memory_space<vmem>>, vector<2048x1xf32>,
    return
  }
  func.func @transform_0(%arg0: i32) -> (i32, i32, i32) {
    %c0_i32 = arith.constant 0 : i32
    %c0_i32_0 = arith.constant 0 : i32
    %c0_i32_1 = arith.constant 0 : i32
    return %c0_i32, %arg0, %c0_i32_0 : i32, i32, i32
  }
  func.func @transform_1(%arg0: i32) -> (i32, i32, i32) {
    %c0_i32 = arith.constant 0 : i32
    %c0_i32_0 = arith.constant 0 : i32
    %c0_i32_1 = arith.constant 0 : i32
    return %c0_i32, %arg0, %c0_i32_0 : i32, i32, i32
  }
  func.func @transform_2(%arg0: i32) -> (i32, i32) {
    %c0_i32 = arith.constant 0 : i32
    %c0_i32_0 = arith.constant 0 : i32
    %c0_i32_1 = arith.constant 0 : i32
    return %c0_i32, %c0_i32_0 : i32, i32
  }
  func.func @transform_3(%arg0: i32) -> (i32, i32) {
    %c0_i32 = arith.constant 0 : i32
    %c0_i32_0 = arith.constant 0 : i32
    %c0_i32_1 = arith.constant 0 : i32
    return %c0_i32, %c0_i32_0 : i32, i32
  }
  func.func @transform_4(%arg0: i32) -> (i32, i32) {
    %c0_i32 = arith.constant 0 : i32
    %c0_i32_0 = arith.constant 0 : i32
    %c0_i32_1 = arith.constant 0 : i32
    return %c0_i32, %c0_i32_0 : i32, i32
  }
  func.func @transform_5(%arg0: i32) -> (i32, i32) {
    %c0_i32 = arith.constant 0 : i32
    %c0_i32_0 = arith.constant 0 : i32
    %c0_i32_1 = arith.constant 0 : i32
    return %c0_i32, %c0_i32_0 : i32, i32
  }
  func.func @transform_6(%arg0: i32) -> (i32, i32) {
    %c0_i32 = arith.constant 0 : i32
    %c0_i32_0 = arith.constant 0 : i32
    %c0_i32_1 = arith.constant 0 : i32
    return %c0_i32, %c0_i32_0 : i32, i32
  }
  func.func @transform_7(%arg0: i32) -> (i32, i32) {
    %c0_i32 = arith.constant 0 : i32
    %c0_i32_0 = arith.constant 0 : i32
    %c0_i32_1 = arith.constant 0 : i32
    return %c0_i32, %c0_i32_0 : i32, i32
  }
  func.func @transform_8(%arg0: i32) -> (i32, i32) {
    %c0_i32 = arith.constant 0 : i32
    %c0_i32_0 = arith.constant 0 : i32
    %c0_i32_1 = arith.constant 0 : i32
    return %c0_i32, %c0_i32_0 : i32, i32
  }
  func.func @transform_9(%arg0: i32) -> (i32, i32) {
    %c0_i32 = arith.constant 0 : i32
    %c0_i32_0 = arith.constant 0 : i32
    %c0_i32_1 = arith.constant 0 : i32
    return %c0_i32, %c0_i32_0 : i32, i32
  }
  func.func @transform_10(%arg0: i32) -> (i32, i32) {
    %c0_i32 = arith.constant 0 : i32
    %c0_i32_0 = arith.constant 0 : i32
    %c0_i32_1 = arith.constant 0 : i32
    return %c0_i32, %c0_i32_0 : i32, i32
  }
  func.func @transform_11(%arg0: i32) -> (i32, i32) {
    %c0_i32 = arith.constant 0 : i32
    %c0_i32_0 = arith.constant 0 : i32
    %c0_i32_1 = arith.constant 0 : i32
    return %c0_i32, %c0_i32_0 : i32, i32
  }
  func.func @transform_12(%arg0: i32) -> (i32, i32) {
    %c0_i32 = arith.constant 0 : i32
    %c0_i32_0 = arith.constant 0 : i32
    %c0_i32_1 = arith.constant 0 : i32
    return %c0_i32, %c0_i32_0 : i32, i32
  }
  func.func @transform_13(%arg0: i32) -> (i32, i32) {
    %c0_i32 = arith.constant 0 : i32
    %c0_i32_0 = arith.constant 0 : i32
    %c0_i32_1 = arith.constant 0 : i32
    return %c0_i32, %c0_i32_0 : i32, i32
  }
  func.func @transform_14(%arg0: i32) -> (i32, i32) {
    %c0_i32 = arith.constant 0 : i32
    %c0_i32_0 = arith.constant 0 : i32
    %c0_i32_1 = arith.constant 0 : i32
    return %c0_i32, %c0_i32_0 : i32, i32
  }
  func.func @transform_15(%arg0: i32) -> (i32, i32) {
    %c0_i32 = arith.constant 0 : i32
    %c0_i32_0 = arith.constant 0 : i32
    %c0_i32_1 = arith.constant 0 : i32
    return %c0_i32, %c0_i32_0 : i32, i32
  }
  func.func @transform_16(%arg0: i32) -> (i32, i32, i32) {
    %c0_i32 = arith.constant 0 : i32
    %c0_i32_0 = arith.constant 0 : i32
    %c0_i32_1 = arith.constant 0 : i32
    return %c0_i32, %arg0, %c0_i32_0 : i32, i32, i32
  }
  func.func @transform_17(%arg0: i32) -> (i32, i32, i32) {
    %c0_i32 = arith.constant 0 : i32
    %c0_i32_0 = arith.constant 0 : i32
    %c0_i32_1 = arith.constant 0 : i32
    return %c0_i32, %arg0, %c0_i32_0 : i32, i32, i32
  }
  func.func @transform_18(%arg0: i32) -> (i32, i32, i32) {
    %c0_i32 = arith.constant 0 : i32
    %c0_i32_0 = arith.constant 0 : i32
    %c0_i32_1 = arith.constant 0 : i32
    return %c0_i32, %arg0, %c0_i32_0 : i32, i32, i32
  }
  func.func @transform_19(%arg0: i32) -> (i32, i32, i32) {
    %c0_i32 = arith.constant 0 : i32
    %c0_i32_0 = arith.constant 0 : i32
    %c0_i32_1 = arith.constant 0 : i32
    return %c0_i32, %arg0, %c0_i32_0 : i32, i32, i32
  }
  func.func @transform_20(%arg0: i32) -> (i32, i32) {
    %c0_i32 = arith.constant 0 : i32
    %c0_i32_0 = arith.constant 0 : i32
    %c0_i32_1 = arith.constant 0 : i32
    return %c0_i32, %c0_i32_0 : i32, i32
  }
  func.func @transform_21(%arg0: i32) -> (i32, i32) {
    %c0_i32 = arith.constant 0 : i32
    %c0_i32_0 = arith.constant 0 : i32
    %c0_i32_1 = arith.constant 0 : i32
    return %c0_i32, %c0_i32_0 : i32, i32
  }
  func.func @transform_22(%arg0: i32) -> (i32, i32) {
    %c0_i32 = arith.constant 0 : i32
    %c0_i32_0 = arith.constant 0 : i32
    %c0_i32_1 = arith.constant 0 : i32
    return %c0_i32, %c0_i32_0 : i32, i32
  }
}

module attributes {stable_mosaic.version = 14 : i64} {
  func.func @_score_body(%arg0: i32, %arg1: memref<512x32xf32, #tpu.memory_space<vmem>>, %arg2: memref<512x1xf32, #tpu.memory_space<vmem>>, %arg3: memref<512x32xf32, #tpu.memory_space<vmem>>, %arg4: memref<512x1xf32, #tpu.memory_space<vmem>>, %arg5: memref<512x128xf32, #tpu.memory_space<vmem>>, %arg6: memref<2048x32xf32, #tpu.memory_space<vmem>>, %arg7: memref<2048x32xf32, #tpu.memory_space<vmem>>, %arg8: memref<1x2048xf32, #tpu.memory_space<vmem>>, %arg9: memref<1x2048xf32, #tpu.memory_space<vmem>>, %arg10: memref<2048x128xf32, #tpu.memory_space<vmem>>, %arg11: memref<512x128xf32, #tpu.memory_space<vmem>>) attributes {dimension_semantics = [#tpu.dimension_semantics<arbitrary>], iteration_bounds = array<i64: 25>, scalar_prefetch = 0 : i64, scratch_operands = 0 : i64, tpu.core_type = #tpu.core_type<tc>, window_params = [{transform_indices = @transform_0, window_bounds = array<i64: 512, 32>}, {transform_indices = @transform_1, window_bounds = array<i64: 512, 1>}, {transform_indices = @transform_2, window_bounds = array<i64: 512, 32>}, {transform_indices = @transform_3, window_bounds = array<i64: 512, 1>}, {transform_indices = @transform_4, window_bounds = array<i64: 512, 128>}, {pipeline_mode = #tpu.pipeline_mode<synchronous>, transform_indices = @transform_5, window_bounds = array<i64: 2048, 32>}, {pipeline_mode = #tpu.pipeline_mode<synchronous>, transform_indices = @transform_6, window_bounds = array<i64: 2048, 32>}, {pipeline_mode = #tpu.pipeline_mode<synchronous>, transform_indices = @transform_7, window_bounds = array<i64: 1, 2048>}, {pipeline_mode = #tpu.pipeline_mode<synchronous>, transform_indices = @transform_8, window_bounds = array<i64: 1, 2048>}, {pipeline_mode = #tpu.pipeline_mode<synchronous>, transform_indices = @transform_9, window_bounds = array<i64: 2048, 128>}, {transform_indices = @transform_10, window_bounds = array<i64: 512, 128>}]} {
    %get3A = arith.constant 0 : index
    %get3A_0 = arith.constant 0 : index
    %get3A_1 = vector.load %arg1[%get3A, %get3A_0] : memref<512x32xf32, #tpu.memory_space<vmem>>, vector<512x32xf32>
    %get3A_2 = arith.constant 0 : index
    %get3A_3 = arith.constant 0 : index
    %get3A_4 = vector.load %arg6[%get3A_2, %get3A_3] : memref<2048x32xf32, #tpu.memory_space<vmem>>, vector<2048x32xf32>
    %dot_general3A = arith.constant dense<0.000000e+00> : vector<512x2048xf32>
    %dot_general3A_5 = tpu.matmul %get3A_1, %get3A_4, %dot_general3A {dimension_numbers = #tpu.dot_dimension_numbers<[1], [1], [0], [0], [0, 0, 1, 0], [], []>, transpose_lhs_hint = false} : vector<512x32xf32>, vector<2048x32xf32>, vector<512x2048xf32> -> vector<512x2048xf32>
    %get3A_6 = arith.constant 0 : index
    %get3A_7 = arith.constant 0 : index
    %get3A_8 = vector.load %arg3[%get3A_6, %get3A_7] : memref<512x32xf32, #tpu.memory_space<vmem>>, vector<512x32xf32>
    %get3A_9 = arith.constant 0 : index
    %get3A_10 = arith.constant 0 : index
    %get3A_11 = vector.load %arg7[%get3A_9, %get3A_10] : memref<2048x32xf32, #tpu.memory_space<vmem>>, vector<2048x32xf32>
    %dot_general3A_12 = arith.constant dense<0.000000e+00> : vector<512x2048xf32>
    %dot_general3A_13 = tpu.matmul %get3A_8, %get3A_11, %dot_general3A_12 {dimension_numbers = #tpu.dot_dimension_numbers<[1], [1], [0], [0], [0, 0, 1, 0], [], []>, transpose_lhs_hint = false} : vector<512x32xf32>, vector<2048x32xf32>, vector<512x2048xf32> -> vector<512x2048xf32>
    %get3A_14 = arith.constant 0 : index
    %get3A_15 = arith.constant 0 : index
    %get3A_16 = vector.load %arg2[%get3A_14, %get3A_15] : memref<512x1xf32, #tpu.memory_space<vmem>>, vector<512x1xf32>
    %mul3A = arith.constant 2.000000e+00 : f32
    %mul3A_17 = vector.broadcast %mul3A : f32 to vector<512x2048xf32>
    %mul3A_18 = arith.mulf %mul3A_17, %dot_general3A_5 : vector<512x2048xf32>
    %sub3A = vector.broadcast %get3A_16 : vector<512x1xf32> to vector<512x2048xf32>
    %sub3A_19 = arith.subf %sub3A, %mul3A_18 : vector<512x2048xf32>
    %get3A_20 = arith.constant 0 : index
    %get3A_21 = arith.constant 0 : index
    %get3A_22 = vector.load %arg8[%get3A_20, %get3A_21] : memref<1x2048xf32, #tpu.memory_space<vmem>>, vector<1x2048xf32>
    %add3A = vector.broadcast %get3A_22 : vector<1x2048xf32> to vector<512x2048xf32>
    %add3A_23 = arith.addf %sub3A_19, %add3A : vector<512x2048xf32>
    %get3A_24 = arith.constant 0 : index
    %get3A_25 = arith.constant 0 : index
    %get3A_26 = vector.load %arg4[%get3A_24, %get3A_25] : memref<512x1xf32, #tpu.memory_space<vmem>>, vector<512x1xf32>
    %mul3A_27 = arith.constant 2.000000e+00 : f32
    %mul3A_28 = vector.broadcast %mul3A_27 : f32 to vector<512x2048xf32>
    %mul3A_29 = arith.mulf %mul3A_28, %dot_general3A_13 : vector<512x2048xf32>
    %sub3A_30 = vector.broadcast %get3A_26 : vector<512x1xf32> to vector<512x2048xf32>
    %sub3A_31 = arith.subf %sub3A_30, %mul3A_29 : vector<512x2048xf32>
    %get3A_32 = arith.constant 0 : index
    %get3A_33 = arith.constant 0 : index
    %get3A_34 = vector.load %arg9[%get3A_32, %get3A_33] : memref<1x2048xf32, #tpu.memory_space<vmem>>, vector<1x2048xf32>
    %add3A_35 = vector.broadcast %get3A_34 : vector<1x2048xf32> to vector<512x2048xf32>
    %add3A_36 = arith.addf %sub3A_31, %add3A_35 : vector<512x2048xf32>
    %max3A = arith.constant 9.99999996E-13 : f32
    %max3A_37 = vector.broadcast %max3A : f32 to vector<512x2048xf32>
    %max3A_38 = arith.maximumf %add3A_23, %max3A_37 : vector<512x2048xf32>
    %sqrt3A = math.sqrt %max3A_38 : vector<512x2048xf32>
    %max3A_39 = arith.constant 9.99999996E-13 : f32
    %max3A_40 = vector.broadcast %max3A_39 : f32 to vector<512x2048xf32>
    %max3A_41 = arith.maximumf %add3A_36, %max3A_40 : vector<512x2048xf32>
    %sqrt3A_42 = math.sqrt %max3A_41 : vector<512x2048xf32>
    %mul3A_43 = arith.constant -1.500000e-02 : f32
    %mul3A_44 = vector.broadcast %mul3A_43 : f32 to vector<512x2048xf32>
    %mul3A_45 = arith.mulf %mul3A_44, %sqrt3A : vector<512x2048xf32>
    %mul3A_46 = arith.constant 5.000000e-03 : f32
    %mul3A_47 = vector.broadcast %mul3A_46 : f32 to vector<512x2048xf32>
    %mul3A_48 = arith.mulf %mul3A_47, %sqrt3A_42 : vector<512x2048xf32>
    %sub3A_49 = arith.subf %mul3A_45, %mul3A_48 : vector<512x2048xf32>
    %exp3A = math.exp %sub3A_49 : vector<512x2048xf32>
    %iota3A = tpu.iota {dimensions = array<i32: 1>} : vector<512x2048xi32>
    %broadcast_in_dim3A = arith.constant 0.000000e+00 : f32
    %broadcast_in_dim3A_50 = vector.broadcast %broadcast_in_dim3A : f32 to vector<512x2048xf32>
    %broadcast_in_dim3A_51 = arith.constant 2.71828175 : f32
    %broadcast_in_dim3A_52 = vector.broadcast %broadcast_in_dim3A_51 : f32 to vector<512x1xf32>
    %reduce_max3A = arith.constant dense<0xFF800000> : vector<512xf32>
    %reduce_max3A_53 = vector.multi_reduction <maximumf>, %exp3A, %reduce_max3A [1] : vector<512x2048xf32> to vector<512xf32>
    %broadcast_in_dim3A_54 = vector.shape_cast %reduce_max3A_53 : vector<512xf32> to vector<512x1xf32>
    %eq3A = vector.broadcast %broadcast_in_dim3A_54 : vector<512x1xf32> to vector<512x2048xf32>
    %eq3A_55 = arith.cmpf oeq, %exp3A, %eq3A : vector<512x2048xf32>
    %jit3A = arith.constant 2048 : i32
    %broadcast_in_dim3A_56 = vector.broadcast %jit3A : i32 to vector<512x2048xi32>
    %select_n3A = arith.select %eq3A_55, %iota3A, %broadcast_in_dim3A_56 : vector<512x2048xi1>, vector<512x2048xi32>
    %reduce_min3A = arith.constant dense<2147483647> : vector<512xi32>
    %reduce_min3A_57 = vector.multi_reduction <minsi>, %select_n3A, %reduce_min3A [1] : vector<512x2048xi32> to vector<512xi32>
    %broadcast_in_dim3A_58 = vector.shape_cast %reduce_min3A_57 : vector<512xi32> to vector<512x1xi32>
    %eq3A_59 = vector.broadcast %broadcast_in_dim3A_58 : vector<512x1xi32> to vector<512x2048xi32>
    %eq3A_60 = arith.cmpi eq, %iota3A, %eq3A_59 : vector<512x2048xi32>
    %exp3A_61 = math.exp %broadcast_in_dim3A_54 : vector<512x1xf32>
    %jit3A_62 = arith.constant 0.000000e+00 : f32
    %broadcast_in_dim3A_63 = vector.shape_cast %exp3A_61 : vector<512x1xf32> to vector<512x1xf32>
    %broadcast_in_dim3A_64 = vector.broadcast %broadcast_in_dim3A_63 : vector<512x1xf32> to vector<512x2048xf32>
    %broadcast_in_dim3A_65 = vector.broadcast %jit3A_62 : f32 to vector<512x2048xf32>
    %select_n3A_66 = arith.select %eq3A_60, %broadcast_in_dim3A_64, %broadcast_in_dim3A_65 : vector<512x2048xi1>, vector<512x2048xf32>
    %add3A_67 = arith.addf %broadcast_in_dim3A_50, %select_n3A_66 : vector<512x2048xf32>
    %add3A_68 = arith.addf %broadcast_in_dim3A_52, %exp3A_61 : vector<512x1xf32>
    %jit3A_69 = arith.constant -1.000000e+00 : f32
    %broadcast_in_dim3A_70 = vector.broadcast %jit3A_69 : f32 to vector<512x2048xf32>
    %select_n3A_71 = arith.select %eq3A_60, %broadcast_in_dim3A_70, %exp3A : vector<512x2048xi1>, vector<512x2048xf32>
    %reduce_max3A_72 = arith.constant dense<0xFF800000> : vector<512xf32>
    %reduce_max3A_73 = vector.multi_reduction <maximumf>, %select_n3A_71, %reduce_max3A_72 [1] : vector<512x2048xf32> to vector<512xf32>
    %broadcast_in_dim3A_74 = vector.shape_cast %reduce_max3A_73 : vector<512xf32> to vector<512x1xf32>
    %eq3A_75 = vector.broadcast %broadcast_in_dim3A_74 : vector<512x1xf32> to vector<512x2048xf32>
    %eq3A_76 = arith.cmpf oeq, %select_n3A_71, %eq3A_75 : vector<512x2048xf32>
    %jit3A_77 = arith.constant 2048 : i32
    %broadcast_in_dim3A_78 = vector.broadcast %jit3A_77 : i32 to vector<512x2048xi32>
    %select_n3A_79 = arith.select %eq3A_76, %iota3A, %broadcast_in_dim3A_78 : vector<512x2048xi1>, vector<512x2048xi32>
    %reduce_min3A_80 = arith.constant dense<2147483647> : vector<512xi32>
    %reduce_min3A_81 = vector.multi_reduction <minsi>, %select_n3A_79, %reduce_min3A_80 [1] : vector<512x2048xi32> to vector<512xi32>
    %broadcast_in_dim3A_82 = vector.shape_cast %reduce_min3A_81 : vector<512xi32> to vector<512x1xi32>
    %eq3A_83 = vector.broadcast %broadcast_in_dim3A_82 : vector<512x1xi32> to vector<512x2048xi32>
    %eq3A_84 = arith.cmpi eq, %iota3A, %eq3A_83 : vector<512x2048xi32>
    %exp3A_85 = math.exp %broadcast_in_dim3A_74 : vector<512x1xf32>
    %jit3A_86 = arith.constant 0.000000e+00 : f32
    %broadcast_in_dim3A_87 = vector.shape_cast %exp3A_85 : vector<512x1xf32> to vector<512x1xf32>
    %broadcast_in_dim3A_88 = vector.broadcast %broadcast_in_dim3A_87 : vector<512x1xf32> to vector<512x2048xf32>
    %broadcast_in_dim3A_89 = vector.broadcast %jit3A_86 : f32 to vector<512x2048xf32>
    %select_n3A_90 = arith.select %eq3A_84, %broadcast_in_dim3A_88, %broadcast_in_dim3A_89 : vector<512x2048xi1>, vector<512x2048xf32>
    %add3A_91 = arith.addf %add3A_67, %select_n3A_90 : vector<512x2048xf32>
    %add3A_92 = arith.addf %add3A_68, %exp3A_85 : vector<512x1xf32>
    %jit3A_93 = arith.constant -1.000000e+00 : f32
    %broadcast_in_dim3A_94 = vector.broadcast %jit3A_93 : f32 to vector<512x2048xf32>
    %select_n3A_95 = arith.select %eq3A_84, %broadcast_in_dim3A_94, %select_n3A_71 : vector<512x2048xi1>, vector<512x2048xf32>
    %reduce_max3A_96 = arith.constant dense<0xFF800000> : vector<512xf32>
    %reduce_max3A_97 = vector.multi_reduction <maximumf>, %select_n3A_95, %reduce_max3A_96 [1] : vector<512x2048xf32> to vector<512xf32>
    %broadcast_in_dim3A_98 = vector.shape_cast %reduce_max3A_97 : vector<512xf32> to vector<512x1xf32>
    %eq3A_99 = vector.broadcast %broadcast_in_dim3A_98 : vector<512x1xf32> to vector<512x2048xf32>
    %eq3A_100 = arith.cmpf oeq, %select_n3A_95, %eq3A_99 : vector<512x2048xf32>
    %jit3A_101 = arith.constant 2048 : i32
    %broadcast_in_dim3A_102 = vector.broadcast %jit3A_101 : i32 to vector<512x2048xi32>
    %select_n3A_103 = arith.select %eq3A_100, %iota3A, %broadcast_in_dim3A_102 : vector<512x2048xi1>, vector<512x2048xi32>
    %reduce_min3A_104 = arith.constant dense<2147483647> : vector<512xi32>
    %reduce_min3A_105 = vector.multi_reduction <minsi>, %select_n3A_103, %reduce_min3A_104 [1] : vector<512x2048xi32> to vector<512xi32>
    %broadcast_in_dim3A_106 = vector.shape_cast %reduce_min3A_105 : vector<512xi32> to vector<512x1xi32>
    %eq3A_107 = vector.broadcast %broadcast_in_dim3A_106 : vector<512x1xi32> to vector<512x2048xi32>
    %eq3A_108 = arith.cmpi eq, %iota3A, %eq3A_107 : vector<512x2048xi32>
    %exp3A_109 = math.exp %broadcast_in_dim3A_98 : vector<512x1xf32>
    %jit3A_110 = arith.constant 0.000000e+00 : f32
    %broadcast_in_dim3A_111 = vector.shape_cast %exp3A_109 : vector<512x1xf32> to vector<512x1xf32>
    %broadcast_in_dim3A_112 = vector.broadcast %broadcast_in_dim3A_111 : vector<512x1xf32> to vector<512x2048xf32>
    %broadcast_in_dim3A_113 = vector.broadcast %jit3A_110 : f32 to vector<512x2048xf32>
    %select_n3A_114 = arith.select %eq3A_108, %broadcast_in_dim3A_112, %broadcast_in_dim3A_113 : vector<512x2048xi1>, vector<512x2048xf32>
    %add3A_115 = arith.addf %add3A_91, %select_n3A_114 : vector<512x2048xf32>
    %add3A_116 = arith.addf %add3A_92, %exp3A_109 : vector<512x1xf32>
    %jit3A_117 = arith.constant -1.000000e+00 : f32
    %broadcast_in_dim3A_118 = vector.broadcast %jit3A_117 : f32 to vector<512x2048xf32>
    %select_n3A_119 = arith.select %eq3A_108, %broadcast_in_dim3A_118, %select_n3A_95 : vector<512x2048xi1>, vector<512x2048xf32>
    %reduce_max3A_120 = arith.constant dense<0xFF800000> : vector<512xf32>
    %reduce_max3A_121 = vector.multi_reduction <maximumf>, %select_n3A_119, %reduce_max3A_120 [1] : vector<512x2048xf32> to vector<512xf32>
    %broadcast_in_dim3A_122 = vector.shape_cast %reduce_max3A_121 : vector<512xf32> to vector<512x1xf32>
    %eq3A_123 = vector.broadcast %broadcast_in_dim3A_122 : vector<512x1xf32> to vector<512x2048xf32>
    %eq3A_124 = arith.cmpf oeq, %select_n3A_119, %eq3A_123 : vector<512x2048xf32>
    %jit3A_125 = arith.constant 2048 : i32
    %broadcast_in_dim3A_126 = vector.broadcast %jit3A_125 : i32 to vector<512x2048xi32>
    %select_n3A_127 = arith.select %eq3A_124, %iota3A, %broadcast_in_dim3A_126 : vector<512x2048xi1>, vector<512x2048xi32>
    %reduce_min3A_128 = arith.constant dense<2147483647> : vector<512xi32>
    %reduce_min3A_129 = vector.multi_reduction <minsi>, %select_n3A_127, %reduce_min3A_128 [1] : vector<512x2048xi32> to vector<512xi32>
    %broadcast_in_dim3A_130 = vector.shape_cast %reduce_min3A_129 : vector<512xi32> to vector<512x1xi32>
    %eq3A_131 = vector.broadcast %broadcast_in_dim3A_130 : vector<512x1xi32> to vector<512x2048xi32>
    %eq3A_132 = arith.cmpi eq, %iota3A, %eq3A_131 : vector<512x2048xi32>
    %exp3A_133 = math.exp %broadcast_in_dim3A_122 : vector<512x1xf32>
    %jit3A_134 = arith.constant 0.000000e+00 : f32
    %broadcast_in_dim3A_135 = vector.shape_cast %exp3A_133 : vector<512x1xf32> to vector<512x1xf32>
    %broadcast_in_dim3A_136 = vector.broadcast %broadcast_in_dim3A_135 : vector<512x1xf32> to vector<512x2048xf32>
    %broadcast_in_dim3A_137 = vector.broadcast %jit3A_134 : f32 to vector<512x2048xf32>
    %select_n3A_138 = arith.select %eq3A_132, %broadcast_in_dim3A_136, %broadcast_in_dim3A_137 : vector<512x2048xi1>, vector<512x2048xf32>
    %add3A_139 = arith.addf %add3A_115, %select_n3A_138 : vector<512x2048xf32>
    %add3A_140 = arith.addf %add3A_116, %exp3A_133 : vector<512x1xf32>
    %jit3A_141 = arith.constant -1.000000e+00 : f32
    %broadcast_in_dim3A_142 = vector.broadcast %jit3A_141 : f32 to vector<512x2048xf32>
    %select_n3A_143 = arith.select %eq3A_132, %broadcast_in_dim3A_142, %select_n3A_119 : vector<512x2048xi1>, vector<512x2048xf32>
    %reduce_max3A_144 = arith.constant dense<0xFF800000> : vector<512xf32>
    %reduce_max3A_145 = vector.multi_reduction <maximumf>, %select_n3A_143, %reduce_max3A_144 [1] : vector<512x2048xf32> to vector<512xf32>
    %broadcast_in_dim3A_146 = vector.shape_cast %reduce_max3A_145 : vector<512xf32> to vector<512x1xf32>
    %eq3A_147 = vector.broadcast %broadcast_in_dim3A_146 : vector<512x1xf32> to vector<512x2048xf32>
    %eq3A_148 = arith.cmpf oeq, %select_n3A_143, %eq3A_147 : vector<512x2048xf32>
    %jit3A_149 = arith.constant 2048 : i32
    %broadcast_in_dim3A_150 = vector.broadcast %jit3A_149 : i32 to vector<512x2048xi32>
    %select_n3A_151 = arith.select %eq3A_148, %iota3A, %broadcast_in_dim3A_150 : vector<512x2048xi1>, vector<512x2048xi32>
    %reduce_min3A_152 = arith.constant dense<2147483647> : vector<512xi32>
    %reduce_min3A_153 = vector.multi_reduction <minsi>, %select_n3A_151, %reduce_min3A_152 [1] : vector<512x2048xi32> to vector<512xi32>
    %broadcast_in_dim3A_154 = vector.shape_cast %reduce_min3A_153 : vector<512xi32> to vector<512x1xi32>
    %eq3A_155 = vector.broadcast %broadcast_in_dim3A_154 : vector<512x1xi32> to vector<512x2048xi32>
    %eq3A_156 = arith.cmpi eq, %iota3A, %eq3A_155 : vector<512x2048xi32>
    %exp3A_157 = math.exp %broadcast_in_dim3A_146 : vector<512x1xf32>
    %jit3A_158 = arith.constant 0.000000e+00 : f32
    %broadcast_in_dim3A_159 = vector.shape_cast %exp3A_157 : vector<512x1xf32> to vector<512x1xf32>
    %broadcast_in_dim3A_160 = vector.broadcast %broadcast_in_dim3A_159 : vector<512x1xf32> to vector<512x2048xf32>
    %broadcast_in_dim3A_161 = vector.broadcast %jit3A_158 : f32 to vector<512x2048xf32>
    %select_n3A_162 = arith.select %eq3A_156, %broadcast_in_dim3A_160, %broadcast_in_dim3A_161 : vector<512x2048xi1>, vector<512x2048xf32>
    %add3A_163 = arith.addf %add3A_139, %select_n3A_162 : vector<512x2048xf32>
    %add3A_164 = arith.addf %add3A_140, %exp3A_157 : vector<512x1xf32>
    %jit3A_165 = arith.constant -1.000000e+00 : f32
    %broadcast_in_dim3A_166 = vector.broadcast %jit3A_165 : f32 to vector<512x2048xf32>
    %select_n3A_167 = arith.select %eq3A_156, %broadcast_in_dim3A_166, %select_n3A_143 : vector<512x2048xi1>, vector<512x2048xf32>
    %reduce_max3A_168 = arith.constant dense<0xFF800000> : vector<512xf32>
    %reduce_max3A_169 = vector.multi_reduction <maximumf>, %select_n3A_167, %reduce_max3A_168 [1] : vector<512x2048xf32> to vector<512xf32>
    %broadcast_in_dim3A_170 = vector.shape_cast %reduce_max3A_169 : vector<512xf32> to vector<512x1xf32>
    %eq3A_171 = vector.broadcast %broadcast_in_dim3A_170 : vector<512x1xf32> to vector<512x2048xf32>
    %eq3A_172 = arith.cmpf oeq, %select_n3A_167, %eq3A_171 : vector<512x2048xf32>
    %jit3A_173 = arith.constant 2048 : i32
    %broadcast_in_dim3A_174 = vector.broadcast %jit3A_173 : i32 to vector<512x2048xi32>
    %select_n3A_175 = arith.select %eq3A_172, %iota3A, %broadcast_in_dim3A_174 : vector<512x2048xi1>, vector<512x2048xi32>
    %reduce_min3A_176 = arith.constant dense<2147483647> : vector<512xi32>
    %reduce_min3A_177 = vector.multi_reduction <minsi>, %select_n3A_175, %reduce_min3A_176 [1] : vector<512x2048xi32> to vector<512xi32>
    %broadcast_in_dim3A_178 = vector.shape_cast %reduce_min3A_177 : vector<512xi32> to vector<512x1xi32>
    %eq3A_179 = vector.broadcast %broadcast_in_dim3A_178 : vector<512x1xi32> to vector<512x2048xi32>
    %eq3A_180 = arith.cmpi eq, %iota3A, %eq3A_179 : vector<512x2048xi32>
    %exp3A_181 = math.exp %broadcast_in_dim3A_170 : vector<512x1xf32>
    %jit3A_182 = arith.constant 0.000000e+00 : f32
    %broadcast_in_dim3A_183 = vector.shape_cast %exp3A_181 : vector<512x1xf32> to vector<512x1xf32>
    %broadcast_in_dim3A_184 = vector.broadcast %broadcast_in_dim3A_183 : vector<512x1xf32> to vector<512x2048xf32>
    %broadcast_in_dim3A_185 = vector.broadcast %jit3A_182 : f32 to vector<512x2048xf32>
    %select_n3A_186 = arith.select %eq3A_180, %broadcast_in_dim3A_184, %broadcast_in_dim3A_185 : vector<512x2048xi1>, vector<512x2048xf32>
    %add3A_187 = arith.addf %add3A_163, %select_n3A_186 : vector<512x2048xf32>
    %add3A_188 = arith.addf %add3A_164, %exp3A_181 : vector<512x1xf32>
    %jit3A_189 = arith.constant -1.000000e+00 : f32
    %broadcast_in_dim3A_190 = vector.broadcast %jit3A_189 : f32 to vector<512x2048xf32>
    %select_n3A_191 = arith.select %eq3A_180, %broadcast_in_dim3A_190, %select_n3A_167 : vector<512x2048xi1>, vector<512x2048xf32>
    %reduce_max3A_192 = arith.constant dense<0xFF800000> : vector<512xf32>
    %reduce_max3A_193 = vector.multi_reduction <maximumf>, %select_n3A_191, %reduce_max3A_192 [1] : vector<512x2048xf32> to vector<512xf32>
    %broadcast_in_dim3A_194 = vector.shape_cast %reduce_max3A_193 : vector<512xf32> to vector<512x1xf32>
    %eq3A_195 = vector.broadcast %broadcast_in_dim3A_194 : vector<512x1xf32> to vector<512x2048xf32>
    %eq3A_196 = arith.cmpf oeq, %select_n3A_191, %eq3A_195 : vector<512x2048xf32>
    %jit3A_197 = arith.constant 2048 : i32
    %broadcast_in_dim3A_198 = vector.broadcast %jit3A_197 : i32 to vector<512x2048xi32>
    %select_n3A_199 = arith.select %eq3A_196, %iota3A, %broadcast_in_dim3A_198 : vector<512x2048xi1>, vector<512x2048xi32>
    %reduce_min3A_200 = arith.constant dense<2147483647> : vector<512xi32>
    %reduce_min3A_201 = vector.multi_reduction <minsi>, %select_n3A_199, %reduce_min3A_200 [1] : vector<512x2048xi32> to vector<512xi32>
    %broadcast_in_dim3A_202 = vector.shape_cast %reduce_min3A_201 : vector<512xi32> to vector<512x1xi32>
    %eq3A_203 = vector.broadcast %broadcast_in_dim3A_202 : vector<512x1xi32> to vector<512x2048xi32>
    %eq3A_204 = arith.cmpi eq, %iota3A, %eq3A_203 : vector<512x2048xi32>
    %exp3A_205 = math.exp %broadcast_in_dim3A_194 : vector<512x1xf32>
    %jit3A_206 = arith.constant 0.000000e+00 : f32
    %broadcast_in_dim3A_207 = vector.shape_cast %exp3A_205 : vector<512x1xf32> to vector<512x1xf32>
    %broadcast_in_dim3A_208 = vector.broadcast %broadcast_in_dim3A_207 : vector<512x1xf32> to vector<512x2048xf32>
    %broadcast_in_dim3A_209 = vector.broadcast %jit3A_206 : f32 to vector<512x2048xf32>
    %select_n3A_210 = arith.select %eq3A_204, %broadcast_in_dim3A_208, %broadcast_in_dim3A_209 : vector<512x2048xi1>, vector<512x2048xf32>
    %add3A_211 = arith.addf %add3A_187, %select_n3A_210 : vector<512x2048xf32>
    %add3A_212 = arith.addf %add3A_188, %exp3A_205 : vector<512x1xf32>
    %jit3A_213 = arith.constant -1.000000e+00 : f32
    %broadcast_in_dim3A_214 = vector.broadcast %jit3A_213 : f32 to vector<512x2048xf32>
    %select_n3A_215 = arith.select %eq3A_204, %broadcast_in_dim3A_214, %select_n3A_191 : vector<512x2048xi1>, vector<512x2048xf32>
    %reduce_max3A_216 = arith.constant dense<0xFF800000> : vector<512xf32>
    %reduce_max3A_217 = vector.multi_reduction <maximumf>, %select_n3A_215, %reduce_max3A_216 [1] : vector<512x2048xf32> to vector<512xf32>
    %broadcast_in_dim3A_218 = vector.shape_cast %reduce_max3A_217 : vector<512xf32> to vector<512x1xf32>
    %eq3A_219 = vector.broadcast %broadcast_in_dim3A_218 : vector<512x1xf32> to vector<512x2048xf32>
    %eq3A_220 = arith.cmpf oeq, %select_n3A_215, %eq3A_219 : vector<512x2048xf32>
    %jit3A_221 = arith.constant 2048 : i32
    %broadcast_in_dim3A_222 = vector.broadcast %jit3A_221 : i32 to vector<512x2048xi32>
    %select_n3A_223 = arith.select %eq3A_220, %iota3A, %broadcast_in_dim3A_222 : vector<512x2048xi1>, vector<512x2048xi32>
    %reduce_min3A_224 = arith.constant dense<2147483647> : vector<512xi32>
    %reduce_min3A_225 = vector.multi_reduction <minsi>, %select_n3A_223, %reduce_min3A_224 [1] : vector<512x2048xi32> to vector<512xi32>
    %broadcast_in_dim3A_226 = vector.shape_cast %reduce_min3A_225 : vector<512xi32> to vector<512x1xi32>
    %eq3A_227 = vector.broadcast %broadcast_in_dim3A_226 : vector<512x1xi32> to vector<512x2048xi32>
    %eq3A_228 = arith.cmpi eq, %iota3A, %eq3A_227 : vector<512x2048xi32>
    %exp3A_229 = math.exp %broadcast_in_dim3A_218 : vector<512x1xf32>
    %jit3A_230 = arith.constant 0.000000e+00 : f32
    %broadcast_in_dim3A_231 = vector.shape_cast %exp3A_229 : vector<512x1xf32> to vector<512x1xf32>
    %broadcast_in_dim3A_232 = vector.broadcast %broadcast_in_dim3A_231 : vector<512x1xf32> to vector<512x2048xf32>
    %broadcast_in_dim3A_233 = vector.broadcast %jit3A_230 : f32 to vector<512x2048xf32>
    %select_n3A_234 = arith.select %eq3A_228, %broadcast_in_dim3A_232, %broadcast_in_dim3A_233 : vector<512x2048xi1>, vector<512x2048xf32>
    %add3A_235 = arith.addf %add3A_211, %select_n3A_234 : vector<512x2048xf32>
    %add3A_236 = arith.addf %add3A_212, %exp3A_229 : vector<512x1xf32>
    %jit3A_237 = arith.constant -1.000000e+00 : f32
    %broadcast_in_dim3A_238 = vector.broadcast %jit3A_237 : f32 to vector<512x2048xf32>
    %select_n3A_239 = arith.select %eq3A_228, %broadcast_in_dim3A_238, %select_n3A_215 : vector<512x2048xi1>, vector<512x2048xf32>
    %reduce_max3A_240 = arith.constant dense<0xFF800000> : vector<512xf32>
    %reduce_max3A_241 = vector.multi_reduction <maximumf>, %select_n3A_239, %reduce_max3A_240 [1] : vector<512x2048xf32> to vector<512xf32>
    %broadcast_in_dim3A_242 = vector.shape_cast %reduce_max3A_241 : vector<512xf32> to vector<512x1xf32>
    %eq3A_243 = vector.broadcast %broadcast_in_dim3A_242 : vector<512x1xf32> to vector<512x2048xf32>
    %eq3A_244 = arith.cmpf oeq, %select_n3A_239, %eq3A_243 : vector<512x2048xf32>
    %jit3A_245 = arith.constant 2048 : i32
    %broadcast_in_dim3A_246 = vector.broadcast %jit3A_245 : i32 to vector<512x2048xi32>
    %select_n3A_247 = arith.select %eq3A_244, %iota3A, %broadcast_in_dim3A_246 : vector<512x2048xi1>, vector<512x2048xi32>
    %reduce_min3A_248 = arith.constant dense<2147483647> : vector<512xi32>
    %reduce_min3A_249 = vector.multi_reduction <minsi>, %select_n3A_247, %reduce_min3A_248 [1] : vector<512x2048xi32> to vector<512xi32>
    %broadcast_in_dim3A_250 = vector.shape_cast %reduce_min3A_249 : vector<512xi32> to vector<512x1xi32>
    %eq3A_251 = vector.broadcast %broadcast_in_dim3A_250 : vector<512x1xi32> to vector<512x2048xi32>
    %eq3A_252 = arith.cmpi eq, %iota3A, %eq3A_251 : vector<512x2048xi32>
    %exp3A_253 = math.exp %broadcast_in_dim3A_242 : vector<512x1xf32>
    %jit3A_254 = arith.constant 0.000000e+00 : f32
    %broadcast_in_dim3A_255 = vector.shape_cast %exp3A_253 : vector<512x1xf32> to vector<512x1xf32>
    %broadcast_in_dim3A_256 = vector.broadcast %broadcast_in_dim3A_255 : vector<512x1xf32> to vector<512x2048xf32>
    %broadcast_in_dim3A_257 = vector.broadcast %jit3A_254 : f32 to vector<512x2048xf32>
    %select_n3A_258 = arith.select %eq3A_252, %broadcast_in_dim3A_256, %broadcast_in_dim3A_257 : vector<512x2048xi1>, vector<512x2048xf32>
    %add3A_259 = arith.addf %add3A_235, %select_n3A_258 : vector<512x2048xf32>
    %add3A_260 = arith.addf %add3A_236, %exp3A_253 : vector<512x1xf32>
    %jit3A_261 = arith.constant -1.000000e+00 : f32
    %broadcast_in_dim3A_262 = vector.broadcast %jit3A_261 : f32 to vector<512x2048xf32>
    %select_n3A_263 = arith.select %eq3A_252, %broadcast_in_dim3A_262, %select_n3A_239 : vector<512x2048xi1>, vector<512x2048xf32>
    %reduce_max3A_264 = arith.constant dense<0xFF800000> : vector<512xf32>
    %reduce_max3A_265 = vector.multi_reduction <maximumf>, %select_n3A_263, %reduce_max3A_264 [1] : vector<512x2048xf32> to vector<512xf32>
    %broadcast_in_dim3A_266 = vector.shape_cast %reduce_max3A_265 : vector<512xf32> to vector<512x1xf32>
    %eq3A_267 = vector.broadcast %broadcast_in_dim3A_266 : vector<512x1xf32> to vector<512x2048xf32>
    %eq3A_268 = arith.cmpf oeq, %select_n3A_263, %eq3A_267 : vector<512x2048xf32>
    %jit3A_269 = arith.constant 2048 : i32
    %broadcast_in_dim3A_270 = vector.broadcast %jit3A_269 : i32 to vector<512x2048xi32>
    %select_n3A_271 = arith.select %eq3A_268, %iota3A, %broadcast_in_dim3A_270 : vector<512x2048xi1>, vector<512x2048xi32>
    %reduce_min3A_272 = arith.constant dense<2147483647> : vector<512xi32>
    %reduce_min3A_273 = vector.multi_reduction <minsi>, %select_n3A_271, %reduce_min3A_272 [1] : vector<512x2048xi32> to vector<512xi32>
    %broadcast_in_dim3A_274 = vector.shape_cast %reduce_min3A_273 : vector<512xi32> to vector<512x1xi32>
    %eq3A_275 = vector.broadcast %broadcast_in_dim3A_274 : vector<512x1xi32> to vector<512x2048xi32>
    %eq3A_276 = arith.cmpi eq, %iota3A, %eq3A_275 : vector<512x2048xi32>
    %exp3A_277 = math.exp %broadcast_in_dim3A_266 : vector<512x1xf32>
    %jit3A_278 = arith.constant 0.000000e+00 : f32
    %broadcast_in_dim3A_279 = vector.shape_cast %exp3A_277 : vector<512x1xf32> to vector<512x1xf32>
    %broadcast_in_dim3A_280 = vector.broadcast %broadcast_in_dim3A_279 : vector<512x1xf32> to vector<512x2048xf32>
    %broadcast_in_dim3A_281 = vector.broadcast %jit3A_278 : f32 to vector<512x2048xf32>
    %select_n3A_282 = arith.select %eq3A_276, %broadcast_in_dim3A_280, %broadcast_in_dim3A_281 : vector<512x2048xi1>, vector<512x2048xf32>
    %add3A_283 = arith.addf %add3A_259, %select_n3A_282 : vector<512x2048xf32>
    %add3A_284 = arith.addf %add3A_260, %exp3A_277 : vector<512x1xf32>
    %div3A = arith.constant 1.000000e+00 : f32
    %div3A_285 = vector.broadcast %div3A : f32 to vector<512x1xf32>
    %div3A_286 = arith.divf %div3A_285, %add3A_284 : vector<512x1xf32>
    %mul3A_287 = vector.broadcast %div3A_286 : vector<512x1xf32> to vector<512x2048xf32>
    %mul3A_288 = arith.mulf %add3A_283, %mul3A_287 : vector<512x2048xf32>
    %get3A_289 = arith.constant 0 : index
    %get3A_290 = arith.constant 0 : index
    %get3A_291 = vector.load %arg10[%get3A_289, %get3A_290] : memref<2048x128xf32, #tpu.memory_space<vmem>>, vector<2048x128xf32>
    %dot_general3A_292 = arith.constant dense<0.000000e+00> : vector<512x128xf32>
    %dot_general3A_293 = tpu.matmul %mul3A_288, %get3A_291, %dot_general3A_292 {dimension_numbers = #tpu.dot_dimension_numbers<[1], [0], [0], [1], [0, 0, 1, 1], [], []>, transpose_lhs_hint = false} : vector<512x2048xf32>, vector<2048x128xf32>, vector<512x128xf32> -> vector<512x128xf32>
    %mul3A_294 = arith.constant 2.71828175 : f32
    %mul3A_295 = vector.broadcast %mul3A_294 : f32 to vector<512x1xf32>
    %mul3A_296 = arith.mulf %mul3A_295, %div3A_286 : vector<512x1xf32>
    %get3A_297 = arith.constant 0 : index
    %get3A_298 = arith.constant 0 : index
    %get3A_299 = vector.load %arg5[%get3A_297, %get3A_298] : memref<512x128xf32, #tpu.memory_space<vmem>>, vector<512x128xf32>
    %mul3A_300 = vector.broadcast %mul3A_296 : vector<512x1xf32> to vector<512x128xf32>
    %mul3A_301 = arith.mulf %mul3A_300, %get3A_299 : vector<512x128xf32>
    %add3A_302 = arith.addf %dot_general3A_293, %mul3A_301 : vector<512x128xf32>
    %swap3A = arith.constant 0 : index
    %swap3A_303 = arith.constant 0 : index
    %swap3A_304 = vector.load %arg11[%swap3A, %swap3A_303] : memref<512x128xf32, #tpu.memory_space<vmem>>, vector<512x128xf32>
    tpu.vector_store %arg11[%swap3A, %swap3A_303], %add3A_302 {strides = array<i32>} : memref<512x128xf32, #tpu.memory_space<vmem>>, vector<512x128xf32>,
    return
  }
  func.func @transform_0(%arg0: i32) -> (i32, i32) {
    %c0_i32 = arith.constant 0 : i32
    %c0_i32_0 = arith.constant 0 : i32
    return %arg0, %c0_i32 : i32, i32
  }
  func.func @transform_1(%arg0: i32) -> (i32, i32) {
    %c0_i32 = arith.constant 0 : i32
    %c0_i32_0 = arith.constant 0 : i32
    return %arg0, %c0_i32 : i32, i32
  }
  func.func @transform_2(%arg0: i32) -> (i32, i32) {
    %c0_i32 = arith.constant 0 : i32
    %c0_i32_0 = arith.constant 0 : i32
    return %arg0, %c0_i32 : i32, i32
  }
  func.func @transform_3(%arg0: i32) -> (i32, i32) {
    %c0_i32 = arith.constant 0 : i32
    %c0_i32_0 = arith.constant 0 : i32
    return %arg0, %c0_i32 : i32, i32
  }
  func.func @transform_4(%arg0: i32) -> (i32, i32) {
    %c0_i32 = arith.constant 0 : i32
    %c0_i32_0 = arith.constant 0 : i32
    return %arg0, %c0_i32 : i32, i32
  }
  func.func @transform_5(%arg0: i32) -> (i32, i32) {
    %c0_i32 = arith.constant 0 : i32
    %c0_i32_0 = arith.constant 0 : i32
    %c0_i32_1 = arith.constant 0 : i32
    return %c0_i32, %c0_i32_0 : i32, i32
  }
  func.func @transform_6(%arg0: i32) -> (i32, i32) {
    %c0_i32 = arith.constant 0 : i32
    %c0_i32_0 = arith.constant 0 : i32
    %c0_i32_1 = arith.constant 0 : i32
    return %c0_i32, %c0_i32_0 : i32, i32
  }
  func.func @transform_7(%arg0: i32) -> (i32, i32) {
    %c0_i32 = arith.constant 0 : i32
    %c0_i32_0 = arith.constant 0 : i32
    %c0_i32_1 = arith.constant 0 : i32
    return %c0_i32, %c0_i32_0 : i32, i32
  }
  func.func @transform_8(%arg0: i32) -> (i32, i32) {
    %c0_i32 = arith.constant 0 : i32
    %c0_i32_0 = arith.constant 0 : i32
    %c0_i32_1 = arith.constant 0 : i32
    return %c0_i32, %c0_i32_0 : i32, i32
  }
  func.func @transform_9(%arg0: i32) -> (i32, i32) {
    %c0_i32 = arith.constant 0 : i32
    %c0_i32_0 = arith.constant 0 : i32
    %c0_i32_1 = arith.constant 0 : i32
    return %c0_i32, %c0_i32_0 : i32, i32
  }
  func.func @transform_10(%arg0: i32) -> (i32, i32) {
    %c0_i32 = arith.constant 0 : i32
    %c0_i32_0 = arith.constant 0 : i32
    return %arg0, %c0_i32 : i32, i32
  }
}

</mosaic_0001>

<sc_bundles>
// kernel: kernel.5.cloned.1.call-start
scs
__scs_entry_jumppad:
0x0: {  	(pc) =	sbr.rel $0x88, $3  }
0x1: {  	(tag) =	ssettag $0x0;
	lr =	simm.s32 $0x1  }
0x2: {  	[smem:$0x3F8F] =	sst lr;
	_ =	strace $0xD0000000  }
0x3: {  	_ = 	snop  }
0x4: {  	_ = 	snop  }
0x5: {  	_ = 	snop  }
0x6: {  	_ = 	snop  }
0x7: {  	_ = 	snop  }
__scs_overlays_trampoline_lowered:
0x8: {  	[smem:$0x3F9E] =	sst s0  }
0x9: {  	[smem:$0x3F9F] =	sst s1  }
0xa: {  	[smem:$0x3FA0] =	sst s2  }
0xb: {  	[smem:$0x3FA1] =	sst s3  }
0xc: {  	[smem:$0x3FA2] =	sst s4  }
0xd: {  	[smem:$0x3FA3] =	sst s5  }
0xe: {  	[smem:$0x3FA4] =	sst s6  }
0xf: {  	[smem:$0x3FA5] =	sst s7  }
0x10: {  	[smem:$0x3FA6] =	sst s8  }
0x11: {  	[smem:$0x3FA7] =	sst s9;
	s0 =	simm.s32 @!p0 $0x0  }
0x12: {  	s1 =	sld [smem:$0x3F8D];
	s0 =	simm.s32 @p0 $0x1  }
0x13: {  	[smem:$0x3FA8] =	sst s0;
	s0 =	simm.s32 @!p1 $0x0  }
0x14: {  	s2 =	sld [smem:$0x3F8C];
	s0 =	simm.s32 @p1 $0x1  }
0x15: {  	[smem:$0x3FA9] =	sst s0;
	s0 =	simm.s32 @!p2 $0x0  }
0x16: {  	s3 =	sld [smem:$0x3FDB];
	s0 =	simm.s32 @p2 $0x1  }
0x17: {  	s4 =	simm.s32 $0x1BF5;
	[smem:$0x3FAB] =	sst s0  }
0x18: {  	s0 =	sld [smem:$0x3F8E];
	_ =	swait.ge [sflag:s4], $0x0  }
0x19: {  	s7 =	sld [smem:$0x3F8F]  }
0x1a: {  	s8 =	sadd.s32 $0xFFFFE003, lr  }
0x1b: {  	s9 =	sadd.s32 $0xFFFFFEF7, lr;
	s5 =	simm.s32 $0xFFFFFFFF;
	p2 =	slt.u32 s8, $0xFFFFF086  }
0x1c: {  	p1 =	slt.u32 s9, $0xF7A;
	s5 =	simm.s32 @!p2 $0x0  }
0x1d: {  	s5 =	simm.s32 @p1 $0x1;
	p0 =	seq.s32 s7, s2  }
0x1e: {  	s7 =	smul.u32 @!p0 $0xF7A, s2;
	p2 =	seq.s32 @!p0 s5, $0x0  }
0x1f: {  	s9 =	smul.u32 $0xF7A, s1;
	s8 =	simm.s32 @!p0 $0x1BF5;
	p2 =	por !p2, p0  }
0x20: {  	[sflag:s8] =	ssyncset.s32 @!p0 $0xFFFFF086;
	s6 =	sadd.s32 @!p0 s3, s7;
	s7 =	simm.s32 @!p0 $0x108  }
0x21: {  	s3 =	sadd.s32 s3, s9;
	s6 =	sadd.s32 @!p0 $0x88, s6;
	s7 =	simm.s32 @p2 $0x1082  }
0x22: {  	[simem:s7], [sflag:s8] =	dma.local @!p0 [hbm:s6], $0xF7A  }
0x23: {  	s9 =	sor.u32 $0xD0000000, s2;
	s6 =	simm.s32 $0x108;
	_ =	swait.ge @!p0 [sflag:s8], $0x0  }
0x24: {  	s3 =	sadd.s32 $0x88, s3;
	s6 =	simm.s32 @!p1 $0x1082;
	[sflag:s4] =	ssyncset.s32 $0xFFFFF086  }
0x25: {  	[simem:s6], [sflag:s4] =	dma.local [hbm:s3], $0xF7A  }
0x26: {  	[smem:$0x3F8F] =	sst s1;
	(tag) =	ssettag s2;
	_ =	strace s9  }
0x27: {  	s1 =	sld [smem:$0x3F9F]  }
0x28: {  	s2 =	sld [smem:$0x3FA0]  }
0x29: {  	s4 =	sld [smem:$0x3FA2]  }
0x2a: {  	p0 =	seq.s32 s5, $0x0;
	s5 =	sld [smem:$0x3FA3]  }
0x2b: {  	s6 =	sld [smem:$0x3FA4]  }
0x2c: {  	s7 =	sld [smem:$0x3FA5]  }
0x2d: {  	s3 =	simm.s32 $0x108;
	s8 =	sld [smem:$0x3FA6]  }
0x2e: {  	s3 =	simm.s32 @!p0 $0x1082;
	s9 =	sld [smem:$0x3FA7]  }
0x2f: {  	lr =	sadd.s32 s0, s3;
	s0 =	sld [smem:$0x3F9E]  }
0x30: {  	s3 =	sld [smem:$0x3FA1]  }
0x31: {  	[smem:$0x3FAA] =	sst s10  }
0x32: {  	s10 =	sld [smem:$0x3FA8];
	_ =	sdelay $0x3  }
0x33: {  	p0 =	seq.s32 s10, $0x1;
	s10 =	sld [smem:$0x3FAA];
	_ =	sdelay $0x3  }
0x34: {  	[smem:$0x3FAA] =	sst s10  }
0x35: {  	s10 =	sld [smem:$0x3FA9];
	_ =	sdelay $0x3  }
0x36: {  	p1 =	seq.s32 s10, $0x1;
	s10 =	sld [smem:$0x3FAA];
	_ =	sdelay $0x3  }
0x37: {  	[smem:$0x3FAA] =	sst s10  }
0x38: {  	s10 =	sld [smem:$0x3FAB]  }
0x39: {  	_ = 	snop;
	(pc) =	sbr.ind lr, $3  }
0x3a: {  	_ = 	snop  }
0x3b: {  	_ = 	snop  }
0x3c: {  	p2 =	seq.s32 s10, $0x1;
	s10 =	sld [smem:$0x3FAA]  }
0x3d: {  	_ =	shalt  }
0x3e: {  	_ =	shalt  }
0x3f: {  	_ =	shalt  }
0x40: {  	_ =	shalt  }
0x41: {  	_ =	shalt  }
0x42: {  	_ =	shalt  }
0x43: {  	_ =	shalt  }
0x44: {  	_ =	shalt  }
0x45: {  	_ =	shalt  }
0x46: {  	_ =	shalt  }
0x47: {  	_ =	shalt  }
0x48: {  	_ =	shalt  }
0x49: {  	_ =	shalt  }
0x4a: {  	_ =	shalt  }
0x4b: {  	_ =	shalt  }
0x4c: {  	_ =	shalt  }
0x4d: {  	_ =	shalt  }
0x4e: {  	_ =	shalt  }
0x4f: {  	_ =	shalt  }
0x50: {  	_ =	shalt  }
0x51: {  	_ =	shalt  }
0x52: {  	_ =	shalt  }
0x53: {  	_ =	shalt  }
0x54: {  	_ =	shalt  }
0x55: {  	_ =	shalt  }
0x56: {  	_ =	shalt  }
0x57: {  	_ =	shalt  }
0x58: {  	_ =	shalt  }
0x59: {  	_ =	shalt  }
0x5a: {  	_ =	shalt  }
0x5b: {  	_ =	shalt  }
0x5c: {  	_ =	shalt  }
0x5d: {  	_ =	shalt  }
0x5e: {  	_ =	shalt  }
0x5f: {  	_ =	shalt  }
0x60: {  	_ =	shalt  }
0x61: {  	_ =	shalt  }
0x62: {  	_ =	shalt  }
0x63: {  	_ =	shalt  }
0x64: {  	_ =	shalt  }
0x65: {  	_ =	shalt  }
0x66: {  	_ =	shalt  }
0x67: {  	_ =	shalt  }
0x68: {  	_ =	shalt  }
0x69: {  	_ =	shalt  }
0x6a: {  	_ =	shalt  }
0x6b: {  	_ =	shalt  }
0x6c: {  	_ =	shalt  }
0x6d: {  	_ =	shalt  }
0x6e: {  	_ =	shalt  }
0x6f: {  	_ =	shalt  }
0x70: {  	_ =	shalt  }
0x71: {  	_ =	shalt  }
0x72: {  	_ =	shalt  }
0x73: {  	_ =	shalt  }
0x74: {  	_ =	shalt  }
0x75: {  	_ =	shalt  }
0x76: {  	_ =	shalt  }
0x77: {  	_ =	shalt  }
0x78: {  	_ =	shalt  }
0x79: {  	_ =	shalt  }
0x7a: {  	_ =	shalt  }
0x7b: {  	_ =	shalt  }
0x7c: {  	_ =	shalt  }
0x7d: {  	_ =	shalt  }
0x7e: {  	_ =	shalt  }
0x7f: {  	_ =	shalt  }
0x80: {  	_ =	shalt  }
0x81: {  	_ =	shalt  }
0x82: {  	_ =	shalt  }
0x83: {  	_ =	shalt  }
0x84: {  	_ =	shalt  }
0x85: {  	_ =	shalt  }
0x86: {  	_ =	shalt  }
0x87: {  	_ =	shalt  }
.Lfunc_end0:
.L_simem_size_0:
called_computation_lowered:
.L_overlay_start_0:
0x88: {  	s2 =	sld [smem:$0x3FD9]  }
0x89: {  	s3 =	sld [smem:$0x3FFE];
	_ =	sdelay $0x1  }
0x8a: {  	s1 =	srdreg.scid  }
0x8b: {  	s0 =	sand.u32 $0x1, s1  }
0x8c: {  	s17 =	sshll.u32 s0, $0xA;
	s2 =	sadd.s32 s3, s2  }
0x8d: {  	s2 =	sadd.s32 s2, s17  }
0x8e: {  	[smem:$0x3FB6] =	sst s2  }
0x8f: {  	_ = 	snop  }
0x90: {  	s2 =	sld [smem:$0x3FC9]  }
0x91: {  	s18 =	sld [smem:$0x3FC7]  }
0x92: {  	s4 =	sld [smem:$0x3FC5];
	(tm) =	ssettm $0x1  }
0x93: {  	s5 =	sld [smem:$0x3FFB];
	_ =	sdelay $0x3  }
0x94: {  	_ =	strace s5  }
0x95: {  	s5 =	sld [smem:$0x3FFC];
	_ =	sdelay $0x3  }
0x96: {  	_ =	strace s5  }
0x97: {  	s5 =	sld [smem:$0x3FFD];
	_ =	sdelay $0x3  }
0x98: {  	_ =	strace s5  }
0x99: {  	_ =	strace $0x8FFFFFFF  }
0x9a: {  	s19 =	sld [smem:$0x3FDB];
	_ =	sdelay $0x1  }
0x9b: {  	s6 =	simm.s32 $_scs_section_size  }
0x9c: {  	s7 =	simm.s32 $_size__tile_overlayer_lowered;
	s8 =	simm.s32 $_tile_overlayer_lowered  }
0x9d: {  	s22 =	simm.s32 $0x1BFF;
	s21 =	sshll.u32 s8, $0x1;
	s5 =	sadd.s32 s6, s19  }
0x9e: {  	s9 =	simm.s32 $0x0;
	s20 =	sshll.u32 s7, $0x1;
	s7 =	sadd.s32 s21, s5  }
0x9f: {  	[timem:s9], [sflag:s22] =	dma.local [hbm:s7], s20  }
0xa0: {  	_ =	swait.ge [sflag:s22], s20  }
0xa1: {  	s6 =	ssub.s32 $0x0, s20;
	[sflag:s22] =	ssyncset.done $0x0  }
0xa2: {  	[sflag:s22] =	ssyncadd.s32 s6;
	_ =	sdelay $0x1  }
0xa3: {  	s23 =	simm.s32 $0x1B8B  }
0xa4: {  	_ =	swait.ge [sflag:s23], $0x1  }
0xa5: {  	[sflag:s23] =	ssyncset.done $0x0  }
0xa6: {  	s25 =	simm.s32 $0x1B8E;
	s24 =	sld [smem:$0x3FFE];
	[sflag:s23] =	ssyncadd.s32 $0xFFFFFFFF  }
0xa7: {  	s26 =	simm.s32 $execute0_lowered;
	[smem:$0x3FD2] =	sst s25  }
0xa8: {  	s7 =	sshll.u32 s26, $0x1;
	_ =	strace $0x80000046;
	[dreg:$0x1] =	wrdreg $0xFFFFFFFF  }
0xa9: {  	s28 =	simm.s32 $_size_execute0_lowered;
	s5 =	sadd.s32 s5, s7;
	[dreg:$0x0] =	wrdreg $0x0  }
0xaa: {  	s7 =	sshll.u32 s28, $0x1;
	[dreg:$0x2] =	wrdreg s5  }
0xab: {  	[dreg:$0x3] =	wrdreg s7  }
0xac: {  	[dreg:$0x4] =	wrdreg $0xC0  }
0xad: {  	_ =	task [dreg:s9], $0x5FFFF  }
0xae: {  	[dreg:$0x1] =	wrdreg $0xFFFFFFFF  }
0xaf: {  	[dreg:$0x0] =	wrdreg $0x60  }
0xb0: {  	[dreg:$0x2] =	wrdreg s24  }
0xb1: {  	[dreg:$0x3] =	wrdreg s4  }
0xb2: {  	[dreg:$0x4] =	wrdreg s2  }
0xb3: {  	[dreg:$0x5] =	wrdreg s18  }
0xb4: {  	[dreg:$0x6] =	wrdreg $0x9  }
0xb5: {  	_ =	task.clear_ibuf [dreg:s9], $0x7FFFF;
	_ =	strace $0x90000046  }
0xb6: {  	s29 =	simm.s32 $0x9;
	_ =	strace $0x80000048  }
0xb7: {  	_ =	swait.ge [sflag:s29], $0x1  }
0xb8: {  	[sflag:s29] =	ssyncadd.s32 $0xFFFFFFFF  }
0xb9: {  	_ =	strace $0x90000048  }
0xba: {  	_ =	sfence  }
0xbb: {  	s30 =	sld [smem:$0x0];
	_ =	sdelay $0x2  }
0xbc: {  	s31 =	sshll.u32 s1, $0xD;
	s1 =	sshrl.u32 s1, $0x2  }
0xbd: {  	s3 =	sand.u32 $0x4000, s31;
	s1 =	sadd.s32 s1, s30  }
0xbe: {  	s0 =	sor.u32 s3, s0;
	s1 =	sshll.u32 s1, $0x11  }
0xbf: {  	s0 =	sor.u32 s1, s0  }
0xc0: {  	s0 =	sadd.s32 $0x8F2B, s0  }
0xc1: {  	[sflag:s0] =	ssyncadd.remote.s32 $0x1  }
0xc2: {  	_ =	sfence.sel $0xFFFF  }
0xc3: {  	[dreg:$0x0] =	wrdreg $0xFFFFFFFF;
	(pc) =	sbr.abs _section_cstart, $3  }
0xc4: {  	[dreg:$0x1] =	wrdreg $0xFFFFFFFF  }
0xc5: {  	_ =	task.clear_ibuf [dreg:s9], $0x2FFFF;
	_ =	strace $0x9FFFFFFF  }
0xc6: {  	(tm) =	ssettm $0x7FFFFFFF  }
0xc7: {  	_ =	shalt  }
tec
execute0_lowered:
.L_overlay_start_1:
0x0: {  	(tag) =	ssettag $0x1  }
0x1: {  	s17 =	rddreg [dreg:$0x0]  }
0x2: {  	s1 =	rddreg [dreg:$0x1]  }
0x3: {  	s2 =	srdreg.scid;
	s0 =	stileid.u32  }
0x4: {  	s4 =	rddreg [dreg:$0x2];
	s18 =	sand.u32 $0x1, s2;
	s31 =	sshll.u32 s0, $0x1  }
0x5: {  	s13 =	rddreg [dreg:$0x3];
	s19 =	sor.u32 s18, s31  }
0x6: {  	s3 =	simm.s32 $0x0;
	s2 =	rddreg [dreg:$0x4];
	s5 =	smul.u32 $0x32, s19  }
0x7: {  	[smem:$0x7FF] =	sst s3  }
0x8: {  	_ =	strace $0x80000047;
	s5 =	sadd.s32 s4, s5;
	s4 =	simm.s32 $0x2  }
0x9: {  	[tilespmem:s3], [sflag:$0x2] =	stream.linear.gather [hbm4b:s5+s3], $0x190, $0x38;
	[tilespmem:$0x1D280] =	vst v63  }
0xa: {  	s7 =	simm.s32 $0x190;
	_ =	swait.ge [sflag:s4], $0x190  }
0xb: {  	s8 =	simm.s32 $0x280;
	s9 =	simm.s32 $0x1;
	[sflag:s4] =	ssyncset.done $0x0  }
0xc: {  	s6 =	sadd.s32 $0x188E00, s17;
	s10 =	smul.u32 $0x1900, s19;
	[sflag:s4] =	ssyncadd.s32 $0xFFFFFE70  }
0xd: {  	[tilespmem:s8], [sflag:$0x1] =	stream.indirect.gather [hbm4b:s6+s7], $0x80, s3, s7, $0xb8;
	[tilespmem:$0x1D280] =	vst v63  }
0xe: {  	_ =	swait.ge [sflag:s9], $0xC800  }
0xf: {  	s12 =	sadd.s32 s10, s17;
	[sflag:s9] =	ssyncset.done $0x0  }
0x10: {  	s10 =	sadd.s32 $0xA400, s12;
	[sflag:s9] =	ssyncadd.s32 $0xFFFF3800  }
0x11: {  	[hbm4b:s10+s3] =	stream.linear.scatter [tilespmem:s8], [sflag:$0x2], $0xC800, $0x38;
	[tilespmem:$0x1D280] =	vst v63  }
0x12: {  	_ =	swait.ge [sflag:s4], $0xC800  }
0x13: {  	[sflag:s4] =	ssyncset.done $0x0  }
0x14: {  	s11 =	simm.s32 $0xCA80;
	[sflag:s4] =	ssyncadd.s32 $0xFFFF3800  }
0x15: {  	[tilespmem:s11], [sflag:$0x1] =	stream.indirect.gather [hbm4b:s1+s7], $0x80, s3, s7, $0xb8;
	[tilespmem:$0x1D280] =	vst v63  }
0x16: {  	_ =	swait.ge [sflag:s9], $0xC800  }
0x17: {  	[sflag:s9] =	ssyncset.done $0x0  }
0x18: {  	s12 =	sadd.s32 $0x44400, s12;
	[sflag:s9] =	ssyncadd.s32 $0xFFFF3800  }
0x19: {  	[hbm4b:s12+s3] =	stream.linear.scatter [tilespmem:s11], [sflag:$0x2], $0xC800, $0x38;
	[tilespmem:$0x1D280] =	vst v63  }
0x1a: {  	_ =	swait.ge [sflag:s4], $0xC800  }
0x1b: {  	s14 =	sshll.u32 s19, $0x3;
	[sflag:s4] =	ssyncset.done $0x0  }
0x1c: {  	s13 =	sadd.s32 s13, s14;
	s14 =	simm.s32 $0x200;
	[sflag:s4] =	ssyncadd.s32 $0xFFFF3800  }
0x1d: {  	[tilespmem:s14], [sflag:$0x2] =	stream.linear.gather [hbm4b:s13+s3], $0x40, $0x38;
	[tilespmem:$0x1D280] =	vst v63  }
0x1e: {  	_ =	swait.ge [sflag:s4], $0x40  }
0x1f: {  	[sflag:s4] =	ssyncset.done $0x0  }
0x20: {  	s15 =	simm.s32 $0x40;
	s16 =	simm.s32 $0x19280;
	[sflag:s4] =	ssyncadd.s32 $0xFFFFFFC0  }
0x21: {  	[tilespmem:s16], [sflag:$0x1] =	stream.indirect.gather [hbm4b:s6+s15], $0x80, s14, s15, $0xb8;
	[tilespmem:$0x1D280] =	vst v63  }
0x22: {  	s19 =	sshll.u32 s19, $0xA;
	_ =	swait.ge [sflag:s9], $0x2000  }
0x23: {  	s19 =	sadd.s32 s19, s17;
	[sflag:s9] =	ssyncset.done $0x0  }
0x24: {  	s20 =	ssub.s32 $0x2, s18;
	s17 =	sadd.s32 $0x2400, s19;
	[sflag:s9] =	ssyncadd.s32 $0xFFFFE000  }
0x25: {  	[hbm4b:s17+s3] =	stream.linear.scatter [tilespmem:s16], [sflag:$0x2], $0x2000, $0x38;
	[tilespmem:$0x1D280] =	vst v63  }
0x26: {  	s21 =	sshrl.u32 s20, $0x1;
	_ =	swait.ge [sflag:s4], $0x2000  }
0x27: {  	s20 =	ssub.s32 s20, s21;
	[sflag:s4] =	ssyncset.done $0x0  }
0x28: {  	s18 =	simm.s32 $0x1B280;
	s20 =	smax.u32 s20, $0x1;
	[sflag:s4] =	ssyncadd.s32 $0xFFFFE000  }
0x29: {  	[tilespmem:s18], [sflag:$0x1] =	stream.indirect.gather [hbm4b:s1+s15], $0x80, s14, s15, $0xb8;
	[tilespmem:$0x1D280] =	vst v63  }
0x2a: {  	p0 =	sne.s32 s20, $0x1;
	_ =	swait.ge [sflag:s9], $0x2000  }
.Ltmp0:
0x2b: {  	[sflag:s9] =	ssyncset.done $0x0;
	(pc) =	sbr.rel @!p0 .LBB2_2-.Ltmp0, $4  }
0x2c: {  	s19 =	sadd.s32 $0x3C400, s19;
	[sflag:s9] =	ssyncadd.s32 $0xFFFFE000  }
0x2d: {  	[hbm4b:s19+s3] =	stream.linear.scatter [tilespmem:s18], [sflag:$0x2], $0x2000, $0x38;
	[tilespmem:$0x1D280] =	vst v63  }
0x2e: {  	_ =	swait.ge [sflag:s4], $0x2000  }
0x2f: {  	s20 =	sadd.s32 $0xFFFFFFFF, s20;
	[sflag:s4] =	ssyncset.done $0x0  }
.LBB2_1:
0x30: {  	p0 =	sne.s32 s20, $0x1;
	s20 =	sadd.s32 $0xFFFFFFFF, s20;
	[sflag:s4] =	ssyncadd.s32 $0xFFFFE000  }
0x31: {  	[tilespmem:s3], [sflag:$0x2] =	stream.linear.gather [hbm4b:s5+s3], $0x190, $0x38;
	[tilespmem:$0x1D280] =	vst v63  }
0x32: {  	_ =	swait.ge [sflag:s4], $0x190  }
0x33: {  	[sflag:s4] =	ssyncset.done $0x0  }
0x34: {  	[sflag:s4] =	ssyncadd.s32 $0xFFFFFE70  }
0x35: {  	[tilespmem:s8], [sflag:$0x1] =	stream.indirect.gather [hbm4b:s6+s7], $0x80, s3, s7, $0xb8;
	[tilespmem:$0x1D280] =	vst v63  }
0x36: {  	_ =	swait.ge [sflag:s9], $0xC800  }
0x37: {  	[sflag:s9] =	ssyncset.done $0x0  }
0x38: {  	[sflag:s9] =	ssyncadd.s32 $0xFFFF3800  }
0x39: {  	[hbm4b:s10+s3] =	stream.linear.scatter [tilespmem:s8], [sflag:$0x2], $0xC800, $0x38;
	[tilespmem:$0x1D280] =	vst v63  }
0x3a: {  	_ =	swait.ge [sflag:s4], $0xC800  }
0x3b: {  	[sflag:s4] =	ssyncset.done $0x0  }
0x3c: {  	[sflag:s4] =	ssyncadd.s32 $0xFFFF3800  }
0x3d: {  	[tilespmem:s11], [sflag:$0x1] =	stream.indirect.gather [hbm4b:s1+s7], $0x80, s3, s7, $0xb8;
	[tilespmem:$0x1D280] =	vst v63  }
0x3e: {  	_ =	swait.ge [sflag:s9], $0xC800  }
0x3f: {  	[sflag:s9] =	ssyncset.done $0x0  }
0x40: {  	[sflag:s9] =	ssyncadd.s32 $0xFFFF3800  }
0x41: {  	[hbm4b:s12+s3] =	stream.linear.scatter [tilespmem:s11], [sflag:$0x2], $0xC800, $0x38;
	[tilespmem:$0x1D280] =	vst v63  }
0x42: {  	_ =	swait.ge [sflag:s4], $0xC800  }
0x43: {  	[sflag:s4] =	ssyncset.done $0x0  }
0x44: {  	[sflag:s4] =	ssyncadd.s32 $0xFFFF3800  }
0x45: {  	[tilespmem:s14], [sflag:$0x2] =	stream.linear.gather [hbm4b:s13+s3], $0x40, $0x38;
	[tilespmem:$0x1D280] =	vst v63  }
0x46: {  	_ =	swait.ge [sflag:s4], $0x40  }
0x47: {  	[sflag:s4] =	ssyncset.done $0x0  }
0x48: {  	[sflag:s4] =	ssyncadd.s32 $0xFFFFFFC0  }
0x49: {  	[tilespmem:s16], [sflag:$0x1] =	stream.indirect.gather [hbm4b:s6+s15], $0x80, s14, s15, $0xb8;
	[tilespmem:$0x1D280] =	vst v63  }
0x4a: {  	_ =	swait.ge [sflag:s9], $0x2000  }
0x4b: {  	[sflag:s9] =	ssyncset.done $0x0  }
0x4c: {  	[sflag:s9] =	ssyncadd.s32 $0xFFFFE000  }
0x4d: {  	[hbm4b:s17+s3] =	stream.linear.scatter [tilespmem:s16], [sflag:$0x2], $0x2000, $0x38;
	[tilespmem:$0x1D280] =	vst v63  }
0x4e: {  	_ =	swait.ge [sflag:s4], $0x2000  }
0x4f: {  	[sflag:s4] =	ssyncset.done $0x0  }
0x50: {  	[sflag:s4] =	ssyncadd.s32 $0xFFFFE000  }
0x51: {  	[tilespmem:s18], [sflag:$0x1] =	stream.indirect.gather [hbm4b:s1+s15], $0x80, s14, s15, $0xb8;
	[tilespmem:$0x1D280] =	vst v63  }
0x52: {  	_ =	swait.ge [sflag:s9], $0x2000  }
.Ltmp1:
0x53: {  	[sflag:s9] =	ssyncset.done $0x0;
	(pc) =	sbr.rel @p0 .LBB2_1-.Ltmp1, $4  }
0x54: {  	[sflag:s9] =	ssyncadd.s32 $0xFFFFE000  }
0x55: {  	[hbm4b:s19+s3] =	stream.linear.scatter [tilespmem:s18], [sflag:$0x2], $0x2000, $0x38;
	[tilespmem:$0x1D280] =	vst v63  }
0x56: {  	_ =	swait.ge [sflag:s4], $0x2000  }
0x57: {  	[sflag:s4] =	ssyncset.done $0x0  }
.LBB2_2:
0x58: {  	[sflag:s4] =	ssyncadd.s32 $0xFFFFE000  }
0x59: {  	_ =	sfence.sel $0x180000  }
0x5a: {  	[bflag:$0x0] =	sbarrier.arrive $0xFFFF  }
0x5b: {  	p0 =	sne.s32 s0, $0x0;
	_ =	strace $0x90000047  }
0x5c: {  	s0 =	sadd.s32 @!p0 $0x100000, s2;
	[bflag:$0x2] =	sbarrier.arrive $0xFFFF  }
0x5d: {  	[sflag:s0] =	ssyncadd.tile.s32 @!p0 $0x1;
	_ =	shalt  }
.Lfunc_end2:
_tile_overlayer_lowered:
.L_overlay_start_2:
0x5e: {  	(tag) =	ssettag $0x2  }
0x5f: {  	s0 =	rddreg [dreg:$0x0];
	s2 =	stileid.u32  }
0x60: {  	s1 =	rddreg [dreg:$0x1];
	p0 =	sne.s32 s2, $0x0  }
0x61: {  	s3 =	rddreg [dreg:$0x2];
	[bflag:$0x3] =	sbarrier.arrive $0xFFFF;
	s2 =	simm.s32 @!p0 $0x1C02  }
0x62: {  	[timem:s3], [sflag:s2] =	dma.local @!p0 [hbm:s0], s1  }
0x63: {  	s0 =	simm.s32 @!p0 $0x2  }
0x64: {  	_ =	swait.ge @!p0 [sflag:s0], s1  }
0x65: {  	s1 =	ssub.s32 @!p0 $0x0, s1;
	[sflag:s0] =	ssyncset.done @!p0 $0x0  }
0x66: {  	[sflag:s0] =	ssyncadd.s32 @!p0 s1  }
0x67: {  	[bflag:$0x3] =	sbarrier.arrive $0xFFFF  }
0x68: {  	_ =	shalt  }

</sc_bundles>
